<compile_context>
chip_gen: v7x
topology: tpu7x:2x2x1
jax: 0.10.2.dev20260603
libtpu: 0.0.44.dev20260713+nightly
codegen_flags: <defaults>
</compile_context>

<pallas_src>
import functools

import numpy as np
import jax
import jax.numpy as jnp
from jax import lax
from jax.experimental import pallas as pl
from jax.experimental.pallas import tpu as pltpu
from jax.experimental.pallas import tpu_sc as plsc

N = 8192
INPUT_DIM = 4
HID = 256
OUT = 4
NF = 10
NL = 8
NC = 8
B = 256
NBLK = N // B + NC
NROWS = NBLK * B
PADW = 128
CHUNK = 80
NCHUNK = NROWS // CHUNK
NCC, NSC = 2, 16
NW = NCC * NSC
CPW = NCHUNK // NW

_PERM_SIN = np.array([4 + i * 8 + 2 * j for i in range(NF) for j in range(INPUT_DIM)])
_PERM_COS = _PERM_SIN + 1
_F2 = np.zeros((3 * INPUT_DIM, NF * INPUT_DIM), np.float32)
for _i in range(NF):
    for _j in range(INPUT_DIM):
        for _k in range(3):
            _F2[_k * INPUT_DIM + _j, _i * INPUT_DIM + _j] = 2.0 ** _i


def _mlp_block(be_ref, nv_ref, tok_ref, f2_ref, w0a_ref, w0sc_ref, b0_ref,
               wb_ref, bb_ref, sc_ref, wo_ref, bo_ref, out_ref):
    @pl.when(pl.program_id(0) < nv_ref[0])
    def _valid_block():
        _mlp_block_body(tok_ref, f2_ref, w0a_ref, w0sc_ref, b0_ref,
                        wb_ref, bb_ref, sc_ref, wo_ref, bo_ref, out_ref)


def _mlp_block_body(tok_ref, f2_ref, w0a_ref, w0sc_ref, b0_ref,
                    wb_ref, bb_ref, sc_ref, wo_ref, bo_ref, out_ref):
    t = tok_ref[...]
    x4 = t[:, 0:4]
    xn = jnp.where(lax.broadcasted_iota(jnp.int32, (B, INPUT_DIM), 1) < 3,
                   x4 / t[:, 3:4], x4)
    x1 = xn.astype(jnp.bfloat16).astype(jnp.float32)
    r1 = xn - x1
    x2 = r1.astype(jnp.bfloat16).astype(jnp.float32)
    x3 = r1 - x2
    xs = jnp.concatenate([x1, x2, x3], axis=1)
    ang = jnp.dot(xs, f2_ref[...],
                  preferred_element_type=jnp.float32) * np.float32(np.pi)
    angc = jnp.concatenate([ang, ang + np.float32(np.pi / 2)], axis=1)
    s80 = jnp.sin(angc)
    h = (jnp.dot(xn, w0a_ref[0], preferred_element_type=jnp.float32)
         + jnp.dot(s80, w0sc_ref[0], preferred_element_type=jnp.float32)
         + b0_ref[0])
    h = jnp.maximum(h, 0.0)
    ha, hb = h[:B // 2], h[B // 2:]
    for l in range(NL - 1):
        wl, bl, sl = wb_ref[0, l], bb_ref[0, l], sc_ref[0, l]
        za = jnp.dot(ha, wl, preferred_element_type=jnp.float32) + bl
        zb = jnp.dot(hb, wl, preferred_element_type=jnp.float32) + bl
        ha = sl * jnp.maximum(za, 0.0) + ha
        hb = sl * jnp.maximum(zb, 0.0) + hb
    h = jnp.concatenate([ha, hb], axis=0)
    o = jnp.dot(h, wo_ref[0], preferred_element_type=jnp.float32) + bo_ref[0]
    out_ref[...] = o / t[:, 4:5]


@functools.cache
def _sc_kernels():
    mesh = plsc.VectorSubcoreMesh(core_axis_name="c", subcore_axis_name="s")

    @functools.partial(
        pl.kernel, mesh=mesh,
        out_type=jax.ShapeDtypeStruct((NROWS, PADW), jnp.float32),
        scratch_types=[pltpu.VMEM((CPW, CHUNK), jnp.int32),
                       pltpu.VMEM((CPW, CHUNK, PADW), jnp.float32),
                       pltpu.SemaphoreType.DMA,
                       pltpu.SemaphoreType.DMA,
                       pltpu.SemaphoreType.DMA])
    def sc_gather(table, idx2, out, idx_v, rows_v, s1, s2, s3):
        wid = lax.axis_index("s") * NCC + lax.axis_index("c")
        base = wid * CPW
        pltpu.async_copy(idx2.at[pl.ds(base, CPW)], idx_v, s1).wait()
        gcs = [pltpu.async_copy(table.at[idx_v.at[k]], rows_v.at[k], s2)
               for k in range(CPW)]
        wcs = []
        for k in range(CPW):
            gcs[k].wait()
            wcs.append(pltpu.async_copy(
                rows_v.at[k], out.at[pl.ds((base + k) * CHUNK, CHUNK)], s3))
        for w in wcs:
            w.wait()

    @functools.partial(
        pl.kernel, mesh=mesh,
        out_type=jax.ShapeDtypeStruct((N + 8, PADW), jnp.float32),
        scratch_types=[pltpu.VMEM((CPW, CHUNK), jnp.int32),
                       pltpu.VMEM((CPW, CHUNK, PADW), jnp.float32),
                       pltpu.SemaphoreType.DMA,
                       pltpu.SemaphoreType.DMA,
                       pltpu.SemaphoreType.DMA])
    def sc_scatter(vals, idx2, out, idx_v, rows_v, s1, s2, s3):
        wid = lax.axis_index("s") * NCC + lax.axis_index("c")
        base = wid * CPW
        ic = pltpu.async_copy(idx2.at[pl.ds(base, CPW)], idx_v, s1)
        vcs = [pltpu.async_copy(vals.at[pl.ds((base + k) * CHUNK, CHUNK)],
                                rows_v.at[k], s2)
               for k in range(CPW)]
        ic.wait()
        wcs = []
        for k in range(CPW):
            vcs[k].wait()
            wcs.append(pltpu.async_copy(rows_v.at[k], out.at[idx_v.at[k]], s3))
        for w in wcs:
            w.wait()

    return sc_gather, sc_scatter


def _routing(layer_id):
    e = layer_id.astype(jnp.int32)
    ohb = e[:, None] == jnp.arange(NC, dtype=jnp.int32)
    onehot = ohb.astype(jnp.int16)
    rank = jnp.sum((jnp.cumsum(onehot, axis=0) - onehot) * onehot,
                   axis=1).astype(jnp.int32)
    counts = jnp.sum(onehot, axis=0).astype(jnp.int32)
    padded = ((counts + B - 1) // B) * B
    starts = jnp.concatenate(
        [jnp.zeros((1,), jnp.int32), jnp.cumsum(padded)[:-1].astype(jnp.int32)])
    dest = jnp.sum(jnp.where(ohb, starts[None, :], 0), axis=1) + rank
    sidx = jnp.full((NROWS,), N, jnp.int32).at[dest].set(
        jnp.arange(N, dtype=jnp.int32))
    gidx = jnp.where(sidx == N, 0, sidx)
    block_expert = (jnp.searchsorted(
        starts, jnp.arange(NBLK, dtype=jnp.int32) * B, side="right") - 1
    ).astype(jnp.int32)
    nvb = (jnp.sum(padded) // B).astype(jnp.int32)[None]
    return gidx, sidx, block_expert, nvb


def kernel(x, layer_id, input_dim, W0, b0, Wb, bb, scalars, Wo, bo):
    gidx, sidx, block_expert, nvb = _routing(layer_id)

    xpad = jnp.concatenate(
        [x, input_dim[:, None], jnp.zeros((N, PADW - INPUT_DIM - 1), jnp.float32)],
        axis=1)

    sc_gather, sc_scatter = _sc_kernels()
    tok = sc_gather(xpad, gidx.reshape(NCHUNK, CHUNK))

    f2 = jnp.asarray(_F2)
    w0a = W0[:, :INPUT_DIM, :]
    w0sc = W0[:, np.concatenate([_PERM_SIN, _PERM_COS]), :]
    b0r = b0[:, None, :]
    scl3 = jnp.broadcast_to(scalars[:, :, None], (NC, NL - 1, HID))
    wo16 = jnp.zeros((NC, HID, PADW), jnp.float32).at[:, :, :OUT].set(Wo)
    bo16 = jnp.zeros((NC, 1, PADW), jnp.float32).at[:, 0, :OUT].set(bo)

    grid_spec = pltpu.PrefetchScalarGridSpec(
        num_scalar_prefetch=2,
        grid=(NBLK,),
        in_specs=[
            pl.BlockSpec((B, PADW), lambda i, be, nv: (i, 0)),
            pl.BlockSpec((3 * INPUT_DIM, NF * INPUT_DIM), lambda i, be, nv: (0, 0)),
            pl.BlockSpec((1, INPUT_DIM, HID), lambda i, be, nv: (be[i], 0, 0)),
            pl.BlockSpec((1, 2 * NF * INPUT_DIM, HID), lambda i, be, nv: (be[i], 0, 0)),
            pl.BlockSpec((1, 1, HID), lambda i, be, nv: (be[i], 0, 0)),
            pl.BlockSpec((1, NL - 1, HID, HID), lambda i, be, nv: (be[i], 0, 0, 0)),
            pl.BlockSpec((1, NL - 1, HID), lambda i, be, nv: (be[i], 0, 0)),
            pl.BlockSpec((1, NL - 1, HID), lambda i, be, nv: (be[i], 0, 0)),
            pl.BlockSpec((1, HID, PADW), lambda i, be, nv: (be[i], 0, 0)),
            pl.BlockSpec((1, 1, PADW), lambda i, be, nv: (be[i], 0, 0)),
        ],
        out_specs=pl.BlockSpec((B, PADW), lambda i, be, nv: (i, 0)),
    )
    vals = pl.pallas_call(
        _mlp_block,
        grid_spec=grid_spec,
        out_shape=jax.ShapeDtypeStruct((NROWS, PADW), jnp.float32),
    )(block_expert, nvb, tok, f2, w0a, w0sc, b0r, Wb, bb, scl3, wo16, bo16)

    scat = sc_scatter(vals, sidx.reshape(NCHUNK, CHUNK))
    return scat[:N, :OUT]

# --- scband reference (transcript-rebuilt; emitter-appended) ---
"""Pipeline reference for scband-ne-rf-mlp-compose-43774306681420 (READ-ONLY COPY).

The authoritative reference and input builder live on the scoring server;
editing this copy changes nothing except your own understanding.
"""

import jax, jax.numpy as jnp
import numpy as np

N = 8192
INPUT_DIM = 4
HID = 256
OUT = 4
NF = 10
NL = 8
NC = 8
ENC = INPUT_DIM + 2 * INPUT_DIM * NF  # 84


def posenc(x):
    out = [x]
    for i in range(NF):
        freq = 2.0 ** i * np.pi
        for j in range(INPUT_DIM):
            out.append(jnp.sin(freq * x[:, j:j + 1]))
            out.append(jnp.cos(freq * x[:, j:j + 1]))
    return jnp.concatenate(out, axis=-1)


def expert_fwd(h, W0, b0, Wb, bb, scal, Wo, bo):
    h = jax.nn.relu(h @ W0 + b0)
    for l in range(NL - 1):
        residual = h
        out = h @ Wb[l] + bb[l]
        h = scal[l] * jax.nn.relu(out) + residual
    return h @ Wo + bo


def setup_inputs(seed: int = 0) -> dict:
    key = jax.random.key(seed)
    ks = jax.random.split(key, 10)
    # keep x away from 0 so x[:, :3] / x[:, 3:] stays numerically tame
    x = jax.random.uniform(ks[0], (N, INPUT_DIM), dtype=jnp.float32, minval=0.25, maxval=1.25)
    layer_id = jax.random.randint(ks[1], (N,), 0, NC, dtype=jnp.int32)
    input_dim = jnp.ones((N,), dtype=jnp.float32)
    W0 = jax.random.normal(ks[2], (NC, ENC, HID), dtype=jnp.float32) * 0.05
    b0 = jnp.zeros((NC, HID), dtype=jnp.float32)
    Wb = jax.random.normal(ks[3], (NC, NL - 1, HID, HID), dtype=jnp.float32) * 0.05
    bb = jnp.zeros((NC, NL - 1, HID), dtype=jnp.float32)
    scalars = jax.random.normal(ks[4], (NC, NL - 1), dtype=jnp.float32) * 0.1
    Wo = jax.random.normal(ks[5], (NC, HID, OUT), dtype=jnp.float32) * 0.05
    bo = jnp.zeros((NC, OUT), dtype=jnp.float32)
    return {"x": x, "layer_id": layer_id, "input_dim": input_dim,
            "W0": W0, "b0": b0, "Wb": Wb, "bb": bb,
            "scalars": scalars, "Wo": Wo, "bo": bo}


def reference(x, layer_id, input_dim, W0, b0, Wb, bb, scalars, Wo, bo):
    # x[:, :3] = x[:, :3] / x[:, 3:]  (input_dim=4 -> broadcast over last col)
    x = x.at[:, :3].set(x[:, :3] / x[:, 3:])
    enc = posenc(x)
    output = jnp.zeros((x.shape[0], OUT), dtype=x.dtype)
    for e in range(NC):
        out_e = expert_fwd(enc, W0[e], b0[e], Wb[e], bb[e], scalars[e], Wo[e], bo[e])
        mask = (layer_id == e)[:, None]
        output = jnp.where(mask, out_e, output)
    return output / input_dim[:, None]

if __name__ == "__main__":
    import jax
    _d = setup_inputs()
    print(jax.jit(kernel)(*tuple(_d.values())))

</pallas_src>

<mosaic_0001>
#map = affine_map<(d0, d1) -> (0, 0)>
module attributes {stable_mosaic.version = 14 : i64} {
  func.func @sc_gather(%arg0: i32, %arg1: i32, %arg2: memref<8192x128xf32, #tpu.memory_space<hbm>>, %arg3: memref<128x80xi32, #tpu.memory_space<hbm>>, %arg4: memref<10240x128xf32, #tpu.memory_space<hbm>>, %arg5: memref<4x80xi32, #tpu.memory_space<vmem>>, %arg6: memref<4x80x128xf32, #tpu.memory_space<vmem>>, %arg7: memref<!tpu.dma_semaphore, #tpu.memory_space<semaphore_mem>>, %arg8: memref<!tpu.dma_semaphore, #tpu.memory_space<semaphore_mem>>, %arg9: memref<!tpu.dma_semaphore, #tpu.memory_space<semaphore_mem>>) attributes {dimension_semantics = [#tpu.dimension_semantics<core_parallel>, #tpu.dimension_semantics<subcore_parallel>], iteration_bounds = array<i64: 2, 16>, scalar_prefetch = 0 : i64, scratch_operands = 5 : i64, tpu.core_type = #tpu.core_type<sc_vector_subcore>, window_params = [{transform_indices = #map}, {transform_indices = #map}, {transform_indices = #map}]} {
    %mul3A = arith.constant 2 : i32
    %mul3A_0 = arith.muli %arg1, %mul3A : i32
    %add3A = arith.addi %mul3A_0, %arg0 : i32
    %mul3A_1 = arith.constant 4 : i32
    %mul3A_2 = arith.muli %add3A, %mul3A_1 : i32
    %dma_start3A = arith.constant 0 : i32
    %dma_start3A_3 = tpu.memref_slice %arg3[%mul3A_2, %dma_start3A] : memref<128x80xi32, #tpu.memory_space<hbm>> -> memref<4x80xi32, #tpu.memory_space<hbm>>
    %dma_start3A_4 = arith.constant 0 : i32
    %dma_start3A_5 = tpu.memref_slice %arg3[%mul3A_2, %dma_start3A_4] : memref<128x80xi32, #tpu.memory_space<hbm>> -> memref<4x80xi32, #tpu.memory_space<hbm>>
    tpu.enqueue_dma source(%dma_start3A_5 : memref<4x80xi32, #tpu.memory_space<hbm>>) target(%arg5 : memref<4x80xi32, #tpu.memory_space<vmem>>) target_semaphore(%arg7 : memref<!tpu.dma_semaphore, #tpu.memory_space<semaphore_mem>>)
    %dma_wait3A = arith.constant 0 : i32
    %dma_wait3A_6 = tpu.memref_slice %arg3[%mul3A_2, %dma_wait3A] : memref<128x80xi32, #tpu.memory_space<hbm>> -> memref<4x80xi32, #tpu.memory_space<hbm>>
    %dma_wait3A_7 = arith.constant 0 : i32
    %dma_wait3A_8 = tpu.memref_slice %arg3[%mul3A_2, %dma_wait3A_7] : memref<128x80xi32, #tpu.memory_space<hbm>> -> memref<4x80xi32, #tpu.memory_space<hbm>>
    tpu.wait_dma2 semaphore(%arg7 : memref<!tpu.dma_semaphore, #tpu.memory_space<semaphore_mem>>) src(%dma_wait3A_8 : memref<4x80xi32, #tpu.memory_space<hbm>>) dst(%arg5 : memref<4x80xi32, #tpu.memory_space<vmem>>)
    %dma_start3A_9 = arith.constant 0 : i32
    %dma_start3A_10 = arith.constant 0 : i32
    %dma_start3A_11 = arith.constant 0 : i32
    %dma_start3A_12 = arith.constant 0 : i32
    %dma_start3A_13 = tpu.memref_slice %arg6[%dma_start3A_10, %dma_start3A_11, %dma_start3A_12] : memref<4x80x128xf32, #tpu.memory_space<vmem>> -> memref<1x80x128xf32, #tpu.memory_space<vmem>>
    %dma_start3A_14 = tpu.memref_squeeze %dma_start3A_13 : memref<1x80x128xf32, #tpu.memory_space<vmem>> -> memref<80x128xf32, #tpu.memory_space<vmem>>
    %dma_start3A_15 = arith.constant 0 : i32
    %dma_start3A_16 = tpu.memref_slice %arg5[%dma_start3A_9, %dma_start3A_15] : memref<4x80xi32, #tpu.memory_space<vmem>> -> memref<1x80xi32, #tpu.memory_space<vmem>>
    %dma_start3A_17 = tpu.memref_squeeze %dma_start3A_16 : memref<1x80xi32, #tpu.memory_space<vmem>> -> memref<80xi32, #tpu.memory_space<vmem>>
    %dma_start3A_18 = arith.constant 0 : i32
    %dma_start3A_19 = arith.constant 0 : i32
    %dma_start3A_20 = tpu.memref_slice %arg2[%dma_start3A_18, %dma_start3A_19] : memref<8192x128xf32, #tpu.memory_space<hbm>> -> memref<8192x128xf32, #tpu.memory_space<hbm>>
    tpu.enqueue_indirect_dma source(%dma_start3A_20 : memref<8192x128xf32, #tpu.memory_space<hbm>>) target(%dma_start3A_14 : memref<80x128xf32, #tpu.memory_space<vmem>>) offsets(%dma_start3A_17 : memref<80xi32, #tpu.memory_space<vmem>>) semaphore(%arg8 : memref<!tpu.dma_semaphore, #tpu.memory_space<semaphore_mem>>)
    %dma_start3A_21 = arith.constant 1 : i32
    %dma_start3A_22 = arith.constant 1 : i32
    %dma_start3A_23 = arith.constant 0 : i32
    %dma_start3A_24 = arith.constant 0 : i32
    %dma_start3A_25 = tpu.memref_slice %arg6[%dma_start3A_22, %dma_start3A_23, %dma_start3A_24] : memref<4x80x128xf32, #tpu.memory_space<vmem>> -> memref<1x80x128xf32, #tpu.memory_space<vmem>>
    %dma_start3A_26 = tpu.memref_squeeze %dma_start3A_25 : memref<1x80x128xf32, #tpu.memory_space<vmem>> -> memref<80x128xf32, #tpu.memory_space<vmem>>
    %dma_start3A_27 = arith.constant 0 : i32
    %dma_start3A_28 = tpu.memref_slice %arg5[%dma_start3A_21, %dma_start3A_27] : memref<4x80xi32, #tpu.memory_space<vmem>> -> memref<1x80xi32, #tpu.memory_space<vmem>>
    %dma_start3A_29 = tpu.memref_squeeze %dma_start3A_28 : memref<1x80xi32, #tpu.memory_space<vmem>> -> memref<80xi32, #tpu.memory_space<vmem>>
    %dma_start3A_30 = arith.constant 0 : i32
    %dma_start3A_31 = arith.constant 0 : i32
    %dma_start3A_32 = tpu.memref_slice %arg2[%dma_start3A_30, %dma_start3A_31] : memref<8192x128xf32, #tpu.memory_space<hbm>> -> memref<8192x128xf32, #tpu.memory_space<hbm>>
    tpu.enqueue_indirect_dma source(%dma_start3A_32 : memref<8192x128xf32, #tpu.memory_space<hbm>>) target(%dma_start3A_26 : memref<80x128xf32, #tpu.memory_space<vmem>>) offsets(%dma_start3A_29 : memref<80xi32, #tpu.memory_space<vmem>>) semaphore(%arg8 : memref<!tpu.dma_semaphore, #tpu.memory_space<semaphore_mem>>)
    %dma_start3A_33 = arith.constant 2 : i32
    %dma_start3A_34 = arith.constant 2 : i32
    %dma_start3A_35 = arith.constant 0 : i32
    %dma_start3A_36 = arith.constant 0 : i32
    %dma_start3A_37 = tpu.memref_slice %arg6[%dma_start3A_34, %dma_start3A_35, %dma_start3A_36] : memref<4x80x128xf32, #tpu.memory_space<vmem>> -> memref<1x80x128xf32, #tpu.memory_space<vmem>>
    %dma_start3A_38 = tpu.memref_squeeze %dma_start3A_37 : memref<1x80x128xf32, #tpu.memory_space<vmem>> -> memref<80x128xf32, #tpu.memory_space<vmem>>
    %dma_start3A_39 = arith.constant 0 : i32
    %dma_start3A_40 = tpu.memref_slice %arg5[%dma_start3A_33, %dma_start3A_39] : memref<4x80xi32, #tpu.memory_space<vmem>> -> memref<1x80xi32, #tpu.memory_space<vmem>>
    %dma_start3A_41 = tpu.memref_squeeze %dma_start3A_40 : memref<1x80xi32, #tpu.memory_space<vmem>> -> memref<80xi32, #tpu.memory_space<vmem>>
    %dma_start3A_42 = arith.constant 0 : i32
    %dma_start3A_43 = arith.constant 0 : i32
    %dma_start3A_44 = tpu.memref_slice %arg2[%dma_start3A_42, %dma_start3A_43] : memref<8192x128xf32, #tpu.memory_space<hbm>> -> memref<8192x128xf32, #tpu.memory_space<hbm>>
    tpu.enqueue_indirect_dma source(%dma_start3A_44 : memref<8192x128xf32, #tpu.memory_space<hbm>>) target(%dma_start3A_38 : memref<80x128xf32, #tpu.memory_space<vmem>>) offsets(%dma_start3A_41 : memref<80xi32, #tpu.memory_space<vmem>>) semaphore(%arg8 : memref<!tpu.dma_semaphore, #tpu.memory_space<semaphore_mem>>)
    %dma_start3A_45 = arith.constant 3 : i32
    %dma_start3A_46 = arith.constant 3 : i32
    %dma_start3A_47 = arith.constant 0 : i32
    %dma_start3A_48 = arith.constant 0 : i32
    %dma_start3A_49 = tpu.memref_slice %arg6[%dma_start3A_46, %dma_start3A_47, %dma_start3A_48] : memref<4x80x128xf32, #tpu.memory_space<vmem>> -> memref<1x80x128xf32, #tpu.memory_space<vmem>>
    %dma_start3A_50 = tpu.memref_squeeze %dma_start3A_49 : memref<1x80x128xf32, #tpu.memory_space<vmem>> -> memref<80x128xf32, #tpu.memory_space<vmem>>
    %dma_start3A_51 = arith.constant 0 : i32
    %dma_start3A_52 = tpu.memref_slice %arg5[%dma_start3A_45, %dma_start3A_51] : memref<4x80xi32, #tpu.memory_space<vmem>> -> memref<1x80xi32, #tpu.memory_space<vmem>>
    %dma_start3A_53 = tpu.memref_squeeze %dma_start3A_52 : memref<1x80xi32, #tpu.memory_space<vmem>> -> memref<80xi32, #tpu.memory_space<vmem>>
    %dma_start3A_54 = arith.constant 0 : i32
    %dma_start3A_55 = arith.constant 0 : i32
    %dma_start3A_56 = tpu.memref_slice %arg2[%dma_start3A_54, %dma_start3A_55] : memref<8192x128xf32, #tpu.memory_space<hbm>> -> memref<8192x128xf32, #tpu.memory_space<hbm>>
    tpu.enqueue_indirect_dma source(%dma_start3A_56 : memref<8192x128xf32, #tpu.memory_space<hbm>>) target(%dma_start3A_50 : memref<80x128xf32, #tpu.memory_space<vmem>>) offsets(%dma_start3A_53 : memref<80xi32, #tpu.memory_space<vmem>>) semaphore(%arg8 : memref<!tpu.dma_semaphore, #tpu.memory_space<semaphore_mem>>)
    %dma_wait3A_57 = arith.constant 0 : i32
    %dma_wait3A_58 = arith.constant 0 : i32
    %dma_wait3A_59 = arith.constant 0 : i32
    %dma_wait3A_60 = arith.constant 0 : i32
    %dma_wait3A_61 = tpu.memref_slice %arg6[%dma_wait3A_58, %dma_wait3A_59, %dma_wait3A_60] : memref<4x80x128xf32, #tpu.memory_space<vmem>> -> memref<1x80x128xf32, #tpu.memory_space<vmem>>
    %dma_wait3A_62 = tpu.memref_squeeze %dma_wait3A_61 : memref<1x80x128xf32, #tpu.memory_space<vmem>> -> memref<80x128xf32, #tpu.memory_space<vmem>>
    %dma_wait3A_63 = arith.constant 0 : i32
    %dma_wait3A_64 = tpu.memref_slice %arg5[%dma_wait3A_57, %dma_wait3A_63] : memref<4x80xi32, #tpu.memory_space<vmem>> -> memref<1x80xi32, #tpu.memory_space<vmem>>
    %dma_wait3A_65 = tpu.memref_squeeze %dma_wait3A_64 : memref<1x80xi32, #tpu.memory_space<vmem>> -> memref<80xi32, #tpu.memory_space<vmem>>
    %dma_wait3A_66 = arith.constant 0 : i32
    %dma_wait3A_67 = arith.constant 0 : i32
    %dma_wait3A_68 = tpu.memref_slice %arg2[%dma_wait3A_66, %dma_wait3A_67] : memref<8192x128xf32, #tpu.memory_space<hbm>> -> memref<8192x128xf32, #tpu.memory_space<hbm>>
    tpu.wait_indirect_dma semaphore(%arg8 : memref<!tpu.dma_semaphore, #tpu.memory_space<semaphore_mem>>) src(%dma_wait3A_68 : memref<8192x128xf32, #tpu.memory_space<hbm>>) dst(%dma_wait3A_62 : memref<80x128xf32, #tpu.memory_space<vmem>>)
    %add3A_69 = arith.constant 0 : i32
    %add3A_70 = arith.addi %mul3A_2, %add3A_69 : i32
    %mul3A_71 = arith.constant 80 : i32
    %mul3A_72 = arith.muli %add3A_70, %mul3A_71 : i32
    %dma_start3A_73 = arith.constant 0 : i32
    %dma_start3A_74 = arith.constant 0 : i32
    %dma_start3A_75 = arith.constant 0 : i32
    %dma_start3A_76 = tpu.memref_slice %arg6[%dma_start3A_73, %dma_start3A_74, %dma_start3A_75] : memref<4x80x128xf32, #tpu.memory_space<vmem>> -> memref<1x80x128xf32, #tpu.memory_space<vmem>>
    %dma_start3A_77 = tpu.memref_squeeze %dma_start3A_76 : memref<1x80x128xf32, #tpu.memory_space<vmem>> -> memref<80x128xf32, #tpu.memory_space<vmem>>
    %dma_start3A_78 = arith.constant 0 : i32
    %dma_start3A_79 = tpu.memref_slice %arg4[%mul3A_72, %dma_start3A_78] : memref<10240x128xf32, #tpu.memory_space<hbm>> -> memref<80x128xf32, #tpu.memory_space<hbm>>
    %dma_start3A_80 = arith.constant 0 : i32
    %dma_start3A_81 = tpu.memref_slice %arg4[%mul3A_72, %dma_start3A_80] : memref<10240x128xf32, #tpu.memory_space<hbm>> -> memref<80x128xf32, #tpu.memory_space<hbm>>
    %dma_start3A_82 = arith.constant 0 : i32
    %dma_start3A_83 = arith.constant 0 : i32
    %dma_start3A_84 = tpu.memref_slice %arg6[%dma_start3A_73, %dma_start3A_82, %dma_start3A_83] : memref<4x80x128xf32, #tpu.memory_space<vmem>> -> memref<1x80x128xf32, #tpu.memory_space<vmem>>
    %dma_start3A_85 = tpu.memref_squeeze %dma_start3A_84 : memref<1x80x128xf32, #tpu.memory_space<vmem>> -> memref<80x128xf32, #tpu.memory_space<vmem>>
    tpu.enqueue_dma source(%dma_start3A_85 : memref<80x128xf32, #tpu.memory_space<vmem>>) target(%dma_start3A_81 : memref<80x128xf32, #tpu.memory_space<hbm>>) target_semaphore(%arg9 : memref<!tpu.dma_semaphore, #tpu.memory_space<semaphore_mem>>)
    %dma_wait3A_86 = arith.constant 1 : i32
    %dma_wait3A_87 = arith.constant 1 : i32
    %dma_wait3A_88 = arith.constant 0 : i32
    %dma_wait3A_89 = arith.constant 0 : i32
    %dma_wait3A_90 = tpu.memref_slice %arg6[%dma_wait3A_87, %dma_wait3A_88, %dma_wait3A_89] : memref<4x80x128xf32, #tpu.memory_space<vmem>> -> memref<1x80x128xf32, #tpu.memory_space<vmem>>
    %dma_wait3A_91 = tpu.memref_squeeze %dma_wait3A_90 : memref<1x80x128xf32, #tpu.memory_space<vmem>> -> memref<80x128xf32, #tpu.memory_space<vmem>>
    %dma_wait3A_92 = arith.constant 0 : i32
    %dma_wait3A_93 = tpu.memref_slice %arg5[%dma_wait3A_86, %dma_wait3A_92] : memref<4x80xi32, #tpu.memory_space<vmem>> -> memref<1x80xi32, #tpu.memory_space<vmem>>
    %dma_wait3A_94 = tpu.memref_squeeze %dma_wait3A_93 : memref<1x80xi32, #tpu.memory_space<vmem>> -> memref<80xi32, #tpu.memory_space<vmem>>
    %dma_wait3A_95 = arith.constant 0 : i32
    %dma_wait3A_96 = arith.constant 0 : i32
    %dma_wait3A_97 = tpu.memref_slice %arg2[%dma_wait3A_95, %dma_wait3A_96] : memref<8192x128xf32, #tpu.memory_space<hbm>> -> memref<8192x128xf32, #tpu.memory_space<hbm>>
    tpu.wait_indirect_dma semaphore(%arg8 : memref<!tpu.dma_semaphore, #tpu.memory_space<semaphore_mem>>) src(%dma_wait3A_97 : memref<8192x128xf32, #tpu.memory_space<hbm>>) dst(%dma_wait3A_91 : memref<80x128xf32, #tpu.memory_space<vmem>>)
    %add3A_98 = arith.constant 1 : i32
    %add3A_99 = arith.addi %mul3A_2, %add3A_98 : i32
    %mul3A_100 = arith.constant 80 : i32
    %mul3A_101 = arith.muli %add3A_99, %mul3A_100 : i32
    %dma_start3A_102 = arith.constant 1 : i32
    %dma_start3A_103 = arith.constant 0 : i32
    %dma_start3A_104 = arith.constant 0 : i32
    %dma_start3A_105 = tpu.memref_slice %arg6[%dma_start3A_102, %dma_start3A_103, %dma_start3A_104] : memref<4x80x128xf32, #tpu.memory_space<vmem>> -> memref<1x80x128xf32, #tpu.memory_space<vmem>>
    %dma_start3A_106 = tpu.memref_squeeze %dma_start3A_105 : memref<1x80x128xf32, #tpu.memory_space<vmem>> -> memref<80x128xf32, #tpu.memory_space<vmem>>
    %dma_start3A_107 = arith.constant 0 : i32
    %dma_start3A_108 = tpu.memref_slice %arg4[%mul3A_101, %dma_start3A_107] : memref<10240x128xf32, #tpu.memory_space<hbm>> -> memref<80x128xf32, #tpu.memory_space<hbm>>
    %dma_start3A_109 = arith.constant 0 : i32
    %dma_start3A_110 = tpu.memref_slice %arg4[%mul3A_101, %dma_start3A_109] : memref<10240x128xf32, #tpu.memory_space<hbm>> -> memref<80x128xf32, #tpu.memory_space<hbm>>
    %dma_start3A_111 = arith.constant 0 : i32
    %dma_start3A_112 = arith.constant 0 : i32
    %dma_start3A_113 = tpu.memref_slice %arg6[%dma_start3A_102, %dma_start3A_111, %dma_start3A_112] : memref<4x80x128xf32, #tpu.memory_space<vmem>> -> memref<1x80x128xf32, #tpu.memory_space<vmem>>
    %dma_start3A_114 = tpu.memref_squeeze %dma_start3A_113 : memref<1x80x128xf32, #tpu.memory_space<vmem>> -> memref<80x128xf32, #tpu.memory_space<vmem>>
    tpu.enqueue_dma source(%dma_start3A_114 : memref<80x128xf32, #tpu.memory_space<vmem>>) target(%dma_start3A_110 : memref<80x128xf32, #tpu.memory_space<hbm>>) target_semaphore(%arg9 : memref<!tpu.dma_semaphore, #tpu.memory_space<semaphore_mem>>)
    %dma_wait3A_115 = arith.constant 2 : i32
    %dma_wait3A_116 = arith.constant 2 : i32
    %dma_wait3A_117 = arith.constant 0 : i32
    %dma_wait3A_118 = arith.constant 0 : i32
    %dma_wait3A_119 = tpu.memref_slice %arg6[%dma_wait3A_116, %dma_wait3A_117, %dma_wait3A_118] : memref<4x80x128xf32, #tpu.memory_space<vmem>> -> memref<1x80x128xf32, #tpu.memory_space<vmem>>
    %dma_wait3A_120 = tpu.memref_squeeze %dma_wait3A_119 : memref<1x80x128xf32, #tpu.memory_space<vmem>> -> memref<80x128xf32, #tpu.memory_space<vmem>>
    %dma_wait3A_121 = arith.constant 0 : i32
    %dma_wait3A_122 = tpu.memref_slice %arg5[%dma_wait3A_115, %dma_wait3A_121] : memref<4x80xi32, #tpu.memory_space<vmem>> -> memref<1x80xi32, #tpu.memory_space<vmem>>
    %dma_wait3A_123 = tpu.memref_squeeze %dma_wait3A_122 : memref<1x80xi32, #tpu.memory_space<vmem>> -> memref<80xi32, #tpu.memory_space<vmem>>
    %dma_wait3A_124 = arith.constant 0 : i32
    %dma_wait3A_125 = arith.constant 0 : i32
    %dma_wait3A_126 = tpu.memref_slice %arg2[%dma_wait3A_124, %dma_wait3A_125] : memref<8192x128xf32, #tpu.memory_space<hbm>> -> memref<8192x128xf32, #tpu.memory_space<hbm>>
    tpu.wait_indirect_dma semaphore(%arg8 : memref<!tpu.dma_semaphore, #tpu.memory_space<semaphore_mem>>) src(%dma_wait3A_126 : memref<8192x128xf32, #tpu.memory_space<hbm>>) dst(%dma_wait3A_120 : memref<80x128xf32, #tpu.memory_space<vmem>>)
    %add3A_127 = arith.constant 2 : i32
    %add3A_128 = arith.addi %mul3A_2, %add3A_127 : i32
    %mul3A_129 = arith.constant 80 : i32
    %mul3A_130 = arith.muli %add3A_128, %mul3A_129 : i32
    %dma_start3A_131 = arith.constant 2 : i32
    %dma_start3A_132 = arith.constant 0 : i32
    %dma_start3A_133 = arith.constant 0 : i32
    %dma_start3A_134 = tpu.memref_slice %arg6[%dma_start3A_131, %dma_start3A_132, %dma_start3A_133] : memref<4x80x128xf32, #tpu.memory_space<vmem>> -> memref<1x80x128xf32, #tpu.memory_space<vmem>>
    %dma_start3A_135 = tpu.memref_squeeze %dma_start3A_134 : memref<1x80x128xf32, #tpu.memory_space<vmem>> -> memref<80x128xf32, #tpu.memory_space<vmem>>
    %dma_start3A_136 = arith.constant 0 : i32
    %dma_start3A_137 = tpu.memref_slice %arg4[%mul3A_130, %dma_start3A_136] : memref<10240x128xf32, #tpu.memory_space<hbm>> -> memref<80x128xf32, #tpu.memory_space<hbm>>
    %dma_start3A_138 = arith.constant 0 : i32
    %dma_start3A_139 = tpu.memref_slice %arg4[%mul3A_130, %dma_start3A_138] : memref<10240x128xf32, #tpu.memory_space<hbm>> -> memref<80x128xf32, #tpu.memory_space<hbm>>
    %dma_start3A_140 = arith.constant 0 : i32
    %dma_start3A_141 = arith.constant 0 : i32
    %dma_start3A_142 = tpu.memref_slice %arg6[%dma_start3A_131, %dma_start3A_140, %dma_start3A_141] : memref<4x80x128xf32, #tpu.memory_space<vmem>> -> memref<1x80x128xf32, #tpu.memory_space<vmem>>
    %dma_start3A_143 = tpu.memref_squeeze %dma_start3A_142 : memref<1x80x128xf32, #tpu.memory_space<vmem>> -> memref<80x128xf32, #tpu.memory_space<vmem>>
    tpu.enqueue_dma source(%dma_start3A_143 : memref<80x128xf32, #tpu.memory_space<vmem>>) target(%dma_start3A_139 : memref<80x128xf32, #tpu.memory_space<hbm>>) target_semaphore(%arg9 : memref<!tpu.dma_semaphore, #tpu.memory_space<semaphore_mem>>)
    %dma_wait3A_144 = arith.constant 3 : i32
    %dma_wait3A_145 = arith.constant 3 : i32
    %dma_wait3A_146 = arith.constant 0 : i32
    %dma_wait3A_147 = arith.constant 0 : i32
    %dma_wait3A_148 = tpu.memref_slice %arg6[%dma_wait3A_145, %dma_wait3A_146, %dma_wait3A_147] : memref<4x80x128xf32, #tpu.memory_space<vmem>> -> memref<1x80x128xf32, #tpu.memory_space<vmem>>
    %dma_wait3A_149 = tpu.memref_squeeze %dma_wait3A_148 : memref<1x80x128xf32, #tpu.memory_space<vmem>> -> memref<80x128xf32, #tpu.memory_space<vmem>>
    %dma_wait3A_150 = arith.constant 0 : i32
    %dma_wait3A_151 = tpu.memref_slice %arg5[%dma_wait3A_144, %dma_wait3A_150] : memref<4x80xi32, #tpu.memory_space<vmem>> -> memref<1x80xi32, #tpu.memory_space<vmem>>
    %dma_wait3A_152 = tpu.memref_squeeze %dma_wait3A_151 : memref<1x80xi32, #tpu.memory_space<vmem>> -> memref<80xi32, #tpu.memory_space<vmem>>
    %dma_wait3A_153 = arith.constant 0 : i32
    %dma_wait3A_154 = arith.constant 0 : i32
    %dma_wait3A_155 = tpu.memref_slice %arg2[%dma_wait3A_153, %dma_wait3A_154] : memref<8192x128xf32, #tpu.memory_space<hbm>> -> memref<8192x128xf32, #tpu.memory_space<hbm>>
    tpu.wait_indirect_dma semaphore(%arg8 : memref<!tpu.dma_semaphore, #tpu.memory_space<semaphore_mem>>) src(%dma_wait3A_155 : memref<8192x128xf32, #tpu.memory_space<hbm>>) dst(%dma_wait3A_149 : memref<80x128xf32, #tpu.memory_space<vmem>>)
    %add3A_156 = arith.constant 3 : i32
    %add3A_157 = arith.addi %mul3A_2, %add3A_156 : i32
    %mul3A_158 = arith.constant 80 : i32
    %mul3A_159 = arith.muli %add3A_157, %mul3A_158 : i32
    %dma_start3A_160 = arith.constant 3 : i32
    %dma_start3A_161 = arith.constant 0 : i32
    %dma_start3A_162 = arith.constant 0 : i32
    %dma_start3A_163 = tpu.memref_slice %arg6[%dma_start3A_160, %dma_start3A_161, %dma_start3A_162] : memref<4x80x128xf32, #tpu.memory_space<vmem>> -> memref<1x80x128xf32, #tpu.memory_space<vmem>>
    %dma_start3A_164 = tpu.memref_squeeze %dma_start3A_163 : memref<1x80x128xf32, #tpu.memory_space<vmem>> -> memref<80x128xf32, #tpu.memory_space<vmem>>
    %dma_start3A_165 = arith.constant 0 : i32
    %dma_start3A_166 = tpu.memref_slice %arg4[%mul3A_159, %dma_start3A_165] : memref<10240x128xf32, #tpu.memory_space<hbm>> -> memref<80x128xf32, #tpu.memory_space<hbm>>
    %dma_start3A_167 = arith.constant 0 : i32
    %dma_start3A_168 = tpu.memref_slice %arg4[%mul3A_159, %dma_start3A_167] : memref<10240x128xf32, #tpu.memory_space<hbm>> -> memref<80x128xf32, #tpu.memory_space<hbm>>
    %dma_start3A_169 = arith.constant 0 : i32
    %dma_start3A_170 = arith.constant 0 : i32
    %dma_start3A_171 = tpu.memref_slice %arg6[%dma_start3A_160, %dma_start3A_169, %dma_start3A_170] : memref<4x80x128xf32, #tpu.memory_space<vmem>> -> memref<1x80x128xf32, #tpu.memory_space<vmem>>
    %dma_start3A_172 = tpu.memref_squeeze %dma_start3A_171 : memref<1x80x128xf32, #tpu.memory_space<vmem>> -> memref<80x128xf32, #tpu.memory_space<vmem>>
    tpu.enqueue_dma source(%dma_start3A_172 : memref<80x128xf32, #tpu.memory_space<vmem>>) target(%dma_start3A_168 : memref<80x128xf32, #tpu.memory_space<hbm>>) target_semaphore(%arg9 : memref<!tpu.dma_semaphore, #tpu.memory_space<semaphore_mem>>)
    %dma_wait3A_173 = arith.constant 0 : i32
    %dma_wait3A_174 = arith.constant 0 : i32
    %dma_wait3A_175 = arith.constant 0 : i32
    %dma_wait3A_176 = tpu.memref_slice %arg6[%dma_wait3A_173, %dma_wait3A_174, %dma_wait3A_175] : memref<4x80x128xf32, #tpu.memory_space<vmem>> -> memref<1x80x128xf32, #tpu.memory_space<vmem>>
    %dma_wait3A_177 = tpu.memref_squeeze %dma_wait3A_176 : memref<1x80x128xf32, #tpu.memory_space<vmem>> -> memref<80x128xf32, #tpu.memory_space<vmem>>
    %dma_wait3A_178 = arith.constant 0 : i32
    %dma_wait3A_179 = tpu.memref_slice %arg4[%mul3A_72, %dma_wait3A_178] : memref<10240x128xf32, #tpu.memory_space<hbm>> -> memref<80x128xf32, #tpu.memory_space<hbm>>
    %dma_wait3A_180 = arith.constant 0 : i32
    %dma_wait3A_181 = tpu.memref_slice %arg4[%mul3A_72, %dma_wait3A_180] : memref<10240x128xf32, #tpu.memory_space<hbm>> -> memref<80x128xf32, #tpu.memory_space<hbm>>
    %dma_wait3A_182 = arith.constant 0 : i32
    %dma_wait3A_183 = arith.constant 0 : i32
    %dma_wait3A_184 = tpu.memref_slice %arg6[%dma_wait3A_173, %dma_wait3A_182, %dma_wait3A_183] : memref<4x80x128xf32, #tpu.memory_space<vmem>> -> memref<1x80x128xf32, #tpu.memory_space<vmem>>
    %dma_wait3A_185 = tpu.memref_squeeze %dma_wait3A_184 : memref<1x80x128xf32, #tpu.memory_space<vmem>> -> memref<80x128xf32, #tpu.memory_space<vmem>>
    tpu.wait_dma2 semaphore(%arg9 : memref<!tpu.dma_semaphore, #tpu.memory_space<semaphore_mem>>) src(%dma_wait3A_185 : memref<80x128xf32, #tpu.memory_space<vmem>>) dst(%dma_wait3A_181 : memref<80x128xf32, #tpu.memory_space<hbm>>)
    %dma_wait3A_186 = arith.constant 1 : i32
    %dma_wait3A_187 = arith.constant 0 : i32
    %dma_wait3A_188 = arith.constant 0 : i32
    %dma_wait3A_189 = tpu.memref_slice %arg6[%dma_wait3A_186, %dma_wait3A_187, %dma_wait3A_188] : memref<4x80x128xf32, #tpu.memory_space<vmem>> -> memref<1x80x128xf32, #tpu.memory_space<vmem>>
    %dma_wait3A_190 = tpu.memref_squeeze %dma_wait3A_189 : memref<1x80x128xf32, #tpu.memory_space<vmem>> -> memref<80x128xf32, #tpu.memory_space<vmem>>
    %dma_wait3A_191 = arith.constant 0 : i32
    %dma_wait3A_192 = tpu.memref_slice %arg4[%mul3A_101, %dma_wait3A_191] : memref<10240x128xf32, #tpu.memory_space<hbm>> -> memref<80x128xf32, #tpu.memory_space<hbm>>
    %dma_wait3A_193 = arith.constant 0 : i32
    %dma_wait3A_194 = tpu.memref_slice %arg4[%mul3A_101, %dma_wait3A_193] : memref<10240x128xf32, #tpu.memory_space<hbm>> -> memref<80x128xf32, #tpu.memory_space<hbm>>
    %dma_wait3A_195 = arith.constant 0 : i32
    %dma_wait3A_196 = arith.constant 0 : i32
    %dma_wait3A_197 = tpu.memref_slice %arg6[%dma_wait3A_186, %dma_wait3A_195, %dma_wait3A_196] : memref<4x80x128xf32, #tpu.memory_space<vmem>> -> memref<1x80x128xf32, #tpu.memory_space<vmem>>
    %dma_wait3A_198 = tpu.memref_squeeze %dma_wait3A_197 : memref<1x80x128xf32, #tpu.memory_space<vmem>> -> memref<80x128xf32, #tpu.memory_space<vmem>>
    tpu.wait_dma2 semaphore(%arg9 : memref<!tpu.dma_semaphore, #tpu.memory_space<semaphore_mem>>) src(%dma_wait3A_198 : memref<80x128xf32, #tpu.memory_space<vmem>>) dst(%dma_wait3A_194 : memref<80x128xf32, #tpu.memory_space<hbm>>)
    %dma_wait3A_199 = arith.constant 2 : i32
    %dma_wait3A_200 = arith.constant 0 : i32
    %dma_wait3A_201 = arith.constant 0 : i32
    %dma_wait3A_202 = tpu.memref_slice %arg6[%dma_wait3A_199, %dma_wait3A_200, %dma_wait3A_201] : memref<4x80x128xf32, #tpu.memory_space<vmem>> -> memref<1x80x128xf32, #tpu.memory_space<vmem>>
    %dma_wait3A_203 = tpu.memref_squeeze %dma_wait3A_202 : memref<1x80x128xf32, #tpu.memory_space<vmem>> -> memref<80x128xf32, #tpu.memory_space<vmem>>
    %dma_wait3A_204 = arith.constant 0 : i32
    %dma_wait3A_205 = tpu.memref_slice %arg4[%mul3A_130, %dma_wait3A_204] : memref<10240x128xf32, #tpu.memory_space<hbm>> -> memref<80x128xf32, #tpu.memory_space<hbm>>
    %dma_wait3A_206 = arith.constant 0 : i32
    %dma_wait3A_207 = tpu.memref_slice %arg4[%mul3A_130, %dma_wait3A_206] : memref<10240x128xf32, #tpu.memory_space<hbm>> -> memref<80x128xf32, #tpu.memory_space<hbm>>
    %dma_wait3A_208 = arith.constant 0 : i32
    %dma_wait3A_209 = arith.constant 0 : i32
    %dma_wait3A_210 = tpu.memref_slice %arg6[%dma_wait3A_199, %dma_wait3A_208, %dma_wait3A_209] : memref<4x80x128xf32, #tpu.memory_space<vmem>> -> memref<1x80x128xf32, #tpu.memory_space<vmem>>
    %dma_wait3A_211 = tpu.memref_squeeze %dma_wait3A_210 : memref<1x80x128xf32, #tpu.memory_space<vmem>> -> memref<80x128xf32, #tpu.memory_space<vmem>>
    tpu.wait_dma2 semaphore(%arg9 : memref<!tpu.dma_semaphore, #tpu.memory_space<semaphore_mem>>) src(%dma_wait3A_211 : memref<80x128xf32, #tpu.memory_space<vmem>>) dst(%dma_wait3A_207 : memref<80x128xf32, #tpu.memory_space<hbm>>)
    %dma_wait3A_212 = arith.constant 3 : i32
    %dma_wait3A_213 = arith.constant 0 : i32
    %dma_wait3A_214 = arith.constant 0 : i32
    %dma_wait3A_215 = tpu.memref_slice %arg6[%dma_wait3A_212, %dma_wait3A_213, %dma_wait3A_214] : memref<4x80x128xf32, #tpu.memory_space<vmem>> -> memref<1x80x128xf32, #tpu.memory_space<vmem>>
    %dma_wait3A_216 = tpu.memref_squeeze %dma_wait3A_215 : memref<1x80x128xf32, #tpu.memory_space<vmem>> -> memref<80x128xf32, #tpu.memory_space<vmem>>
    %dma_wait3A_217 = arith.constant 0 : i32
    %dma_wait3A_218 = tpu.memref_slice %arg4[%mul3A_159, %dma_wait3A_217] : memref<10240x128xf32, #tpu.memory_space<hbm>> -> memref<80x128xf32, #tpu.memory_space<hbm>>
    %dma_wait3A_219 = arith.constant 0 : i32
    %dma_wait3A_220 = tpu.memref_slice %arg4[%mul3A_159, %dma_wait3A_219] : memref<10240x128xf32, #tpu.memory_space<hbm>> -> memref<80x128xf32, #tpu.memory_space<hbm>>
    %dma_wait3A_221 = arith.constant 0 : i32
    %dma_wait3A_222 = arith.constant 0 : i32
    %dma_wait3A_223 = tpu.memref_slice %arg6[%dma_wait3A_212, %dma_wait3A_221, %dma_wait3A_222] : memref<4x80x128xf32, #tpu.memory_space<vmem>> -> memref<1x80x128xf32, #tpu.memory_space<vmem>>
    %dma_wait3A_224 = tpu.memref_squeeze %dma_wait3A_223 : memref<1x80x128xf32, #tpu.memory_space<vmem>> -> memref<80x128xf32, #tpu.memory_space<vmem>>
    tpu.wait_dma2 semaphore(%arg9 : memref<!tpu.dma_semaphore, #tpu.memory_space<semaphore_mem>>) src(%dma_wait3A_224 : memref<80x128xf32, #tpu.memory_space<vmem>>) dst(%dma_wait3A_220 : memref<80x128xf32, #tpu.memory_space<hbm>>)
    return
  }
}

#map = affine_map<(d0, d1) -> (0, 0)>
module attributes {stable_mosaic.version = 14 : i64} {
  func.func @sc_scatter(%arg0: i32, %arg1: i32, %arg2: memref<10240x128xf32, #tpu.memory_space<hbm>>, %arg3: memref<128x80xi32, #tpu.memory_space<hbm>>, %arg4: memref<8200x128xf32, #tpu.memory_space<hbm>>, %arg5: memref<4x80xi32, #tpu.memory_space<vmem>>, %arg6: memref<4x80x128xf32, #tpu.memory_space<vmem>>, %arg7: memref<!tpu.dma_semaphore, #tpu.memory_space<semaphore_mem>>, %arg8: memref<!tpu.dma_semaphore, #tpu.memory_space<semaphore_mem>>, %arg9: memref<!tpu.dma_semaphore, #tpu.memory_space<semaphore_mem>>) attributes {dimension_semantics = [#tpu.dimension_semantics<core_parallel>, #tpu.dimension_semantics<subcore_parallel>], iteration_bounds = array<i64: 2, 16>, scalar_prefetch = 0 : i64, scratch_operands = 5 : i64, tpu.core_type = #tpu.core_type<sc_vector_subcore>, window_params = [{transform_indices = #map}, {transform_indices = #map}, {transform_indices = #map}]} {
    %mul3A = arith.constant 2 : i32
    %mul3A_0 = arith.muli %arg1, %mul3A : i32
    %add3A = arith.addi %mul3A_0, %arg0 : i32
    %mul3A_1 = arith.constant 4 : i32
    %mul3A_2 = arith.muli %add3A, %mul3A_1 : i32
    %dma_start3A = arith.constant 0 : i32
    %dma_start3A_3 = tpu.memref_slice %arg3[%mul3A_2, %dma_start3A] : memref<128x80xi32, #tpu.memory_space<hbm>> -> memref<4x80xi32, #tpu.memory_space<hbm>>
    %dma_start3A_4 = arith.constant 0 : i32
    %dma_start3A_5 = tpu.memref_slice %arg3[%mul3A_2, %dma_start3A_4] : memref<128x80xi32, #tpu.memory_space<hbm>> -> memref<4x80xi32, #tpu.memory_space<hbm>>
    tpu.enqueue_dma source(%dma_start3A_5 : memref<4x80xi32, #tpu.memory_space<hbm>>) target(%arg5 : memref<4x80xi32, #tpu.memory_space<vmem>>) target_semaphore(%arg7 : memref<!tpu.dma_semaphore, #tpu.memory_space<semaphore_mem>>)
    %add3A_6 = arith.constant 0 : i32
    %add3A_7 = arith.addi %mul3A_2, %add3A_6 : i32
    %mul3A_8 = arith.constant 80 : i32
    %mul3A_9 = arith.muli %add3A_7, %mul3A_8 : i32
    %dma_start3A_10 = arith.constant 0 : i32
    %dma_start3A_11 = arith.constant 0 : i32
    %dma_start3A_12 = arith.constant 0 : i32
    %dma_start3A_13 = tpu.memref_slice %arg6[%dma_start3A_10, %dma_start3A_11, %dma_start3A_12] : memref<4x80x128xf32, #tpu.memory_space<vmem>> -> memref<1x80x128xf32, #tpu.memory_space<vmem>>
    %dma_start3A_14 = tpu.memref_squeeze %dma_start3A_13 : memref<1x80x128xf32, #tpu.memory_space<vmem>> -> memref<80x128xf32, #tpu.memory_space<vmem>>
    %dma_start3A_15 = arith.constant 0 : i32
    %dma_start3A_16 = tpu.memref_slice %arg2[%mul3A_9, %dma_start3A_15] : memref<10240x128xf32, #tpu.memory_space<hbm>> -> memref<80x128xf32, #tpu.memory_space<hbm>>
    %dma_start3A_17 = arith.constant 0 : i32
    %dma_start3A_18 = arith.constant 0 : i32
    %dma_start3A_19 = tpu.memref_slice %arg6[%dma_start3A_10, %dma_start3A_17, %dma_start3A_18] : memref<4x80x128xf32, #tpu.memory_space<vmem>> -> memref<1x80x128xf32, #tpu.memory_space<vmem>>
    %dma_start3A_20 = tpu.memref_squeeze %dma_start3A_19 : memref<1x80x128xf32, #tpu.memory_space<vmem>> -> memref<80x128xf32, #tpu.memory_space<vmem>>
    %dma_start3A_21 = arith.constant 0 : i32
    %dma_start3A_22 = tpu.memref_slice %arg2[%mul3A_9, %dma_start3A_21] : memref<10240x128xf32, #tpu.memory_space<hbm>> -> memref<80x128xf32, #tpu.memory_space<hbm>>
    tpu.enqueue_dma source(%dma_start3A_22 : memref<80x128xf32, #tpu.memory_space<hbm>>) target(%dma_start3A_20 : memref<80x128xf32, #tpu.memory_space<vmem>>) target_semaphore(%arg8 : memref<!tpu.dma_semaphore, #tpu.memory_space<semaphore_mem>>)
    %add3A_23 = arith.constant 1 : i32
    %add3A_24 = arith.addi %mul3A_2, %add3A_23 : i32
    %mul3A_25 = arith.constant 80 : i32
    %mul3A_26 = arith.muli %add3A_24, %mul3A_25 : i32
    %dma_start3A_27 = arith.constant 1 : i32
    %dma_start3A_28 = arith.constant 0 : i32
    %dma_start3A_29 = arith.constant 0 : i32
    %dma_start3A_30 = tpu.memref_slice %arg6[%dma_start3A_27, %dma_start3A_28, %dma_start3A_29] : memref<4x80x128xf32, #tpu.memory_space<vmem>> -> memref<1x80x128xf32, #tpu.memory_space<vmem>>
    %dma_start3A_31 = tpu.memref_squeeze %dma_start3A_30 : memref<1x80x128xf32, #tpu.memory_space<vmem>> -> memref<80x128xf32, #tpu.memory_space<vmem>>
    %dma_start3A_32 = arith.constant 0 : i32
    %dma_start3A_33 = tpu.memref_slice %arg2[%mul3A_26, %dma_start3A_32] : memref<10240x128xf32, #tpu.memory_space<hbm>> -> memref<80x128xf32, #tpu.memory_space<hbm>>
    %dma_start3A_34 = arith.constant 0 : i32
    %dma_start3A_35 = arith.constant 0 : i32
    %dma_start3A_36 = tpu.memref_slice %arg6[%dma_start3A_27, %dma_start3A_34, %dma_start3A_35] : memref<4x80x128xf32, #tpu.memory_space<vmem>> -> memref<1x80x128xf32, #tpu.memory_space<vmem>>
    %dma_start3A_37 = tpu.memref_squeeze %dma_start3A_36 : memref<1x80x128xf32, #tpu.memory_space<vmem>> -> memref<80x128xf32, #tpu.memory_space<vmem>>
    %dma_start3A_38 = arith.constant 0 : i32
    %dma_start3A_39 = tpu.memref_slice %arg2[%mul3A_26, %dma_start3A_38] : memref<10240x128xf32, #tpu.memory_space<hbm>> -> memref<80x128xf32, #tpu.memory_space<hbm>>
    tpu.enqueue_dma source(%dma_start3A_39 : memref<80x128xf32, #tpu.memory_space<hbm>>) target(%dma_start3A_37 : memref<80x128xf32, #tpu.memory_space<vmem>>) target_semaphore(%arg8 : memref<!tpu.dma_semaphore, #tpu.memory_space<semaphore_mem>>)
    %add3A_40 = arith.constant 2 : i32
    %add3A_41 = arith.addi %mul3A_2, %add3A_40 : i32
    %mul3A_42 = arith.constant 80 : i32
    %mul3A_43 = arith.muli %add3A_41, %mul3A_42 : i32
    %dma_start3A_44 = arith.constant 2 : i32
    %dma_start3A_45 = arith.constant 0 : i32
    %dma_start3A_46 = arith.constant 0 : i32
    %dma_start3A_47 = tpu.memref_slice %arg6[%dma_start3A_44, %dma_start3A_45, %dma_start3A_46] : memref<4x80x128xf32, #tpu.memory_space<vmem>> -> memref<1x80x128xf32, #tpu.memory_space<vmem>>
    %dma_start3A_48 = tpu.memref_squeeze %dma_start3A_47 : memref<1x80x128xf32, #tpu.memory_space<vmem>> -> memref<80x128xf32, #tpu.memory_space<vmem>>
    %dma_start3A_49 = arith.constant 0 : i32
    %dma_start3A_50 = tpu.memref_slice %arg2[%mul3A_43, %dma_start3A_49] : memref<10240x128xf32, #tpu.memory_space<hbm>> -> memref<80x128xf32, #tpu.memory_space<hbm>>
    %dma_start3A_51 = arith.constant 0 : i32
    %dma_start3A_52 = arith.constant 0 : i32
    %dma_start3A_53 = tpu.memref_slice %arg6[%dma_start3A_44, %dma_start3A_51, %dma_start3A_52] : memref<4x80x128xf32, #tpu.memory_space<vmem>> -> memref<1x80x128xf32, #tpu.memory_space<vmem>>
    %dma_start3A_54 = tpu.memref_squeeze %dma_start3A_53 : memref<1x80x128xf32, #tpu.memory_space<vmem>> -> memref<80x128xf32, #tpu.memory_space<vmem>>
    %dma_start3A_55 = arith.constant 0 : i32
    %dma_start3A_56 = tpu.memref_slice %arg2[%mul3A_43, %dma_start3A_55] : memref<10240x128xf32, #tpu.memory_space<hbm>> -> memref<80x128xf32, #tpu.memory_space<hbm>>
    tpu.enqueue_dma source(%dma_start3A_56 : memref<80x128xf32, #tpu.memory_space<hbm>>) target(%dma_start3A_54 : memref<80x128xf32, #tpu.memory_space<vmem>>) target_semaphore(%arg8 : memref<!tpu.dma_semaphore, #tpu.memory_space<semaphore_mem>>)
    %add3A_57 = arith.constant 3 : i32
    %add3A_58 = arith.addi %mul3A_2, %add3A_57 : i32
    %mul3A_59 = arith.constant 80 : i32
    %mul3A_60 = arith.muli %add3A_58, %mul3A_59 : i32
    %dma_start3A_61 = arith.constant 3 : i32
    %dma_start3A_62 = arith.constant 0 : i32
    %dma_start3A_63 = arith.constant 0 : i32
    %dma_start3A_64 = tpu.memref_slice %arg6[%dma_start3A_61, %dma_start3A_62, %dma_start3A_63] : memref<4x80x128xf32, #tpu.memory_space<vmem>> -> memref<1x80x128xf32, #tpu.memory_space<vmem>>
    %dma_start3A_65 = tpu.memref_squeeze %dma_start3A_64 : memref<1x80x128xf32, #tpu.memory_space<vmem>> -> memref<80x128xf32, #tpu.memory_space<vmem>>
    %dma_start3A_66 = arith.constant 0 : i32
    %dma_start3A_67 = tpu.memref_slice %arg2[%mul3A_60, %dma_start3A_66] : memref<10240x128xf32, #tpu.memory_space<hbm>> -> memref<80x128xf32, #tpu.memory_space<hbm>>
    %dma_start3A_68 = arith.constant 0 : i32
    %dma_start3A_69 = arith.constant 0 : i32
    %dma_start3A_70 = tpu.memref_slice %arg6[%dma_start3A_61, %dma_start3A_68, %dma_start3A_69] : memref<4x80x128xf32, #tpu.memory_space<vmem>> -> memref<1x80x128xf32, #tpu.memory_space<vmem>>
    %dma_start3A_71 = tpu.memref_squeeze %dma_start3A_70 : memref<1x80x128xf32, #tpu.memory_space<vmem>> -> memref<80x128xf32, #tpu.memory_space<vmem>>
    %dma_start3A_72 = arith.constant 0 : i32
    %dma_start3A_73 = tpu.memref_slice %arg2[%mul3A_60, %dma_start3A_72] : memref<10240x128xf32, #tpu.memory_space<hbm>> -> memref<80x128xf32, #tpu.memory_space<hbm>>
    tpu.enqueue_dma source(%dma_start3A_73 : memref<80x128xf32, #tpu.memory_space<hbm>>) target(%dma_start3A_71 : memref<80x128xf32, #tpu.memory_space<vmem>>) target_semaphore(%arg8 : memref<!tpu.dma_semaphore, #tpu.memory_space<semaphore_mem>>)
    %dma_wait3A = arith.constant 0 : i32
    %dma_wait3A_74 = tpu.memref_slice %arg3[%mul3A_2, %dma_wait3A] : memref<128x80xi32, #tpu.memory_space<hbm>> -> memref<4x80xi32, #tpu.memory_space<hbm>>
    %dma_wait3A_75 = arith.constant 0 : i32
    %dma_wait3A_76 = tpu.memref_slice %arg3[%mul3A_2, %dma_wait3A_75] : memref<128x80xi32, #tpu.memory_space<hbm>> -> memref<4x80xi32, #tpu.memory_space<hbm>>
    tpu.wait_dma2 semaphore(%arg7 : memref<!tpu.dma_semaphore, #tpu.memory_space<semaphore_mem>>) src(%dma_wait3A_76 : memref<4x80xi32, #tpu.memory_space<hbm>>) dst(%arg5 : memref<4x80xi32, #tpu.memory_space<vmem>>)
    %dma_wait3A_77 = arith.constant 0 : i32
    %dma_wait3A_78 = arith.constant 0 : i32
    %dma_wait3A_79 = arith.constant 0 : i32
    %dma_wait3A_80 = tpu.memref_slice %arg6[%dma_wait3A_77, %dma_wait3A_78, %dma_wait3A_79] : memref<4x80x128xf32, #tpu.memory_space<vmem>> -> memref<1x80x128xf32, #tpu.memory_space<vmem>>
    %dma_wait3A_81 = tpu.memref_squeeze %dma_wait3A_80 : memref<1x80x128xf32, #tpu.memory_space<vmem>> -> memref<80x128xf32, #tpu.memory_space<vmem>>
    %dma_wait3A_82 = arith.constant 0 : i32
    %dma_wait3A_83 = tpu.memref_slice %arg2[%mul3A_9, %dma_wait3A_82] : memref<10240x128xf32, #tpu.memory_space<hbm>> -> memref<80x128xf32, #tpu.memory_space<hbm>>
    %dma_wait3A_84 = arith.constant 0 : i32
    %dma_wait3A_85 = arith.constant 0 : i32
    %dma_wait3A_86 = tpu.memref_slice %arg6[%dma_wait3A_77, %dma_wait3A_84, %dma_wait3A_85] : memref<4x80x128xf32, #tpu.memory_space<vmem>> -> memref<1x80x128xf32, #tpu.memory_space<vmem>>
    %dma_wait3A_87 = tpu.memref_squeeze %dma_wait3A_86 : memref<1x80x128xf32, #tpu.memory_space<vmem>> -> memref<80x128xf32, #tpu.memory_space<vmem>>
    %dma_wait3A_88 = arith.constant 0 : i32
    %dma_wait3A_89 = tpu.memref_slice %arg2[%mul3A_9, %dma_wait3A_88] : memref<10240x128xf32, #tpu.memory_space<hbm>> -> memref<80x128xf32, #tpu.memory_space<hbm>>
    tpu.wait_dma2 semaphore(%arg8 : memref<!tpu.dma_semaphore, #tpu.memory_space<semaphore_mem>>) src(%dma_wait3A_89 : memref<80x128xf32, #tpu.memory_space<hbm>>) dst(%dma_wait3A_87 : memref<80x128xf32, #tpu.memory_space<vmem>>)
    %dma_start3A_90 = arith.constant 0 : i32
    %dma_start3A_91 = arith.constant 0 : i32
    %dma_start3A_92 = arith.constant 0 : i32
    %dma_start3A_93 = arith.constant 0 : i32
    %dma_start3A_94 = tpu.memref_slice %arg6[%dma_start3A_90, %dma_start3A_92, %dma_start3A_93] : memref<4x80x128xf32, #tpu.memory_space<vmem>> -> memref<1x80x128xf32, #tpu.memory_space<vmem>>
    %dma_start3A_95 = tpu.memref_squeeze %dma_start3A_94 : memref<1x80x128xf32, #tpu.memory_space<vmem>> -> memref<80x128xf32, #tpu.memory_space<vmem>>
    %dma_start3A_96 = arith.constant 0 : i32
    %dma_start3A_97 = tpu.memref_slice %arg5[%dma_start3A_91, %dma_start3A_96] : memref<4x80xi32, #tpu.memory_space<vmem>> -> memref<1x80xi32, #tpu.memory_space<vmem>>
    %dma_start3A_98 = tpu.memref_squeeze %dma_start3A_97 : memref<1x80xi32, #tpu.memory_space<vmem>> -> memref<80xi32, #tpu.memory_space<vmem>>
    %dma_start3A_99 = arith.constant 0 : i32
    %dma_start3A_100 = arith.constant 0 : i32
    %dma_start3A_101 = tpu.memref_slice %arg4[%dma_start3A_99, %dma_start3A_100] : memref<8200x128xf32, #tpu.memory_space<hbm>> -> memref<8200x128xf32, #tpu.memory_space<hbm>>
    tpu.enqueue_indirect_dma source(%dma_start3A_95 : memref<80x128xf32, #tpu.memory_space<vmem>>) target(%dma_start3A_101 : memref<8200x128xf32, #tpu.memory_space<hbm>>) offsets(%dma_start3A_98 : memref<80xi32, #tpu.memory_space<vmem>>) semaphore(%arg9 : memref<!tpu.dma_semaphore, #tpu.memory_space<semaphore_mem>>)
    %dma_wait3A_102 = arith.constant 1 : i32
    %dma_wait3A_103 = arith.constant 0 : i32
    %dma_wait3A_104 = arith.constant 0 : i32
    %dma_wait3A_105 = tpu.memref_slice %arg6[%dma_wait3A_102, %dma_wait3A_103, %dma_wait3A_104] : memref<4x80x128xf32, #tpu.memory_space<vmem>> -> memref<1x80x128xf32, #tpu.memory_space<vmem>>
    %dma_wait3A_106 = tpu.memref_squeeze %dma_wait3A_105 : memref<1x80x128xf32, #tpu.memory_space<vmem>> -> memref<80x128xf32, #tpu.memory_space<vmem>>
    %dma_wait3A_107 = arith.constant 0 : i32
    %dma_wait3A_108 = tpu.memref_slice %arg2[%mul3A_26, %dma_wait3A_107] : memref<10240x128xf32, #tpu.memory_space<hbm>> -> memref<80x128xf32, #tpu.memory_space<hbm>>
    %dma_wait3A_109 = arith.constant 0 : i32
    %dma_wait3A_110 = arith.constant 0 : i32
    %dma_wait3A_111 = tpu.memref_slice %arg6[%dma_wait3A_102, %dma_wait3A_109, %dma_wait3A_110] : memref<4x80x128xf32, #tpu.memory_space<vmem>> -> memref<1x80x128xf32, #tpu.memory_space<vmem>>
    %dma_wait3A_112 = tpu.memref_squeeze %dma_wait3A_111 : memref<1x80x128xf32, #tpu.memory_space<vmem>> -> memref<80x128xf32, #tpu.memory_space<vmem>>
    %dma_wait3A_113 = arith.constant 0 : i32
    %dma_wait3A_114 = tpu.memref_slice %arg2[%mul3A_26, %dma_wait3A_113] : memref<10240x128xf32, #tpu.memory_space<hbm>> -> memref<80x128xf32, #tpu.memory_space<hbm>>
    tpu.wait_dma2 semaphore(%arg8 : memref<!tpu.dma_semaphore, #tpu.memory_space<semaphore_mem>>) src(%dma_wait3A_114 : memref<80x128xf32, #tpu.memory_space<hbm>>) dst(%dma_wait3A_112 : memref<80x128xf32, #tpu.memory_space<vmem>>)
    %dma_start3A_115 = arith.constant 1 : i32
    %dma_start3A_116 = arith.constant 1 : i32
    %dma_start3A_117 = arith.constant 0 : i32
    %dma_start3A_118 = arith.constant 0 : i32
    %dma_start3A_119 = tpu.memref_slice %arg6[%dma_start3A_115, %dma_start3A_117, %dma_start3A_118] : memref<4x80x128xf32, #tpu.memory_space<vmem>> -> memref<1x80x128xf32, #tpu.memory_space<vmem>>
    %dma_start3A_120 = tpu.memref_squeeze %dma_start3A_119 : memref<1x80x128xf32, #tpu.memory_space<vmem>> -> memref<80x128xf32, #tpu.memory_space<vmem>>
    %dma_start3A_121 = arith.constant 0 : i32
    %dma_start3A_122 = tpu.memref_slice %arg5[%dma_start3A_116, %dma_start3A_121] : memref<4x80xi32, #tpu.memory_space<vmem>> -> memref<1x80xi32, #tpu.memory_space<vmem>>
    %dma_start3A_123 = tpu.memref_squeeze %dma_start3A_122 : memref<1x80xi32, #tpu.memory_space<vmem>> -> memref<80xi32, #tpu.memory_space<vmem>>
    %dma_start3A_124 = arith.constant 0 : i32
    %dma_start3A_125 = arith.constant 0 : i32
    %dma_start3A_126 = tpu.memref_slice %arg4[%dma_start3A_124, %dma_start3A_125] : memref<8200x128xf32, #tpu.memory_space<hbm>> -> memref<8200x128xf32, #tpu.memory_space<hbm>>
    tpu.enqueue_indirect_dma source(%dma_start3A_120 : memref<80x128xf32, #tpu.memory_space<vmem>>) target(%dma_start3A_126 : memref<8200x128xf32, #tpu.memory_space<hbm>>) offsets(%dma_start3A_123 : memref<80xi32, #tpu.memory_space<vmem>>) semaphore(%arg9 : memref<!tpu.dma_semaphore, #tpu.memory_space<semaphore_mem>>)
    %dma_wait3A_127 = arith.constant 2 : i32
    %dma_wait3A_128 = arith.constant 0 : i32
    %dma_wait3A_129 = arith.constant 0 : i32
    %dma_wait3A_130 = tpu.memref_slice %arg6[%dma_wait3A_127, %dma_wait3A_128, %dma_wait3A_129] : memref<4x80x128xf32, #tpu.memory_space<vmem>> -> memref<1x80x128xf32, #tpu.memory_space<vmem>>
    %dma_wait3A_131 = tpu.memref_squeeze %dma_wait3A_130 : memref<1x80x128xf32, #tpu.memory_space<vmem>> -> memref<80x128xf32, #tpu.memory_space<vmem>>
    %dma_wait3A_132 = arith.constant 0 : i32
    %dma_wait3A_133 = tpu.memref_slice %arg2[%mul3A_43, %dma_wait3A_132] : memref<10240x128xf32, #tpu.memory_space<hbm>> -> memref<80x128xf32, #tpu.memory_space<hbm>>
    %dma_wait3A_134 = arith.constant 0 : i32
    %dma_wait3A_135 = arith.constant 0 : i32
    %dma_wait3A_136 = tpu.memref_slice %arg6[%dma_wait3A_127, %dma_wait3A_134, %dma_wait3A_135] : memref<4x80x128xf32, #tpu.memory_space<vmem>> -> memref<1x80x128xf32, #tpu.memory_space<vmem>>
    %dma_wait3A_137 = tpu.memref_squeeze %dma_wait3A_136 : memref<1x80x128xf32, #tpu.memory_space<vmem>> -> memref<80x128xf32, #tpu.memory_space<vmem>>
    %dma_wait3A_138 = arith.constant 0 : i32
    %dma_wait3A_139 = tpu.memref_slice %arg2[%mul3A_43, %dma_wait3A_138] : memref<10240x128xf32, #tpu.memory_space<hbm>> -> memref<80x128xf32, #tpu.memory_space<hbm>>
    tpu.wait_dma2 semaphore(%arg8 : memref<!tpu.dma_semaphore, #tpu.memory_space<semaphore_mem>>) src(%dma_wait3A_139 : memref<80x128xf32, #tpu.memory_space<hbm>>) dst(%dma_wait3A_137 : memref<80x128xf32, #tpu.memory_space<vmem>>)
    %dma_start3A_140 = arith.constant 2 : i32
    %dma_start3A_141 = arith.constant 2 : i32
    %dma_start3A_142 = arith.constant 0 : i32
    %dma_start3A_143 = arith.constant 0 : i32
    %dma_start3A_144 = tpu.memref_slice %arg6[%dma_start3A_140, %dma_start3A_142, %dma_start3A_143] : memref<4x80x128xf32, #tpu.memory_space<vmem>> -> memref<1x80x128xf32, #tpu.memory_space<vmem>>
    %dma_start3A_145 = tpu.memref_squeeze %dma_start3A_144 : memref<1x80x128xf32, #tpu.memory_space<vmem>> -> memref<80x128xf32, #tpu.memory_space<vmem>>
    %dma_start3A_146 = arith.constant 0 : i32
    %dma_start3A_147 = tpu.memref_slice %arg5[%dma_start3A_141, %dma_start3A_146] : memref<4x80xi32, #tpu.memory_space<vmem>> -> memref<1x80xi32, #tpu.memory_space<vmem>>
    %dma_start3A_148 = tpu.memref_squeeze %dma_start3A_147 : memref<1x80xi32, #tpu.memory_space<vmem>> -> memref<80xi32, #tpu.memory_space<vmem>>
    %dma_start3A_149 = arith.constant 0 : i32
    %dma_start3A_150 = arith.constant 0 : i32
    %dma_start3A_151 = tpu.memref_slice %arg4[%dma_start3A_149, %dma_start3A_150] : memref<8200x128xf32, #tpu.memory_space<hbm>> -> memref<8200x128xf32, #tpu.memory_space<hbm>>
    tpu.enqueue_indirect_dma source(%dma_start3A_145 : memref<80x128xf32, #tpu.memory_space<vmem>>) target(%dma_start3A_151 : memref<8200x128xf32, #tpu.memory_space<hbm>>) offsets(%dma_start3A_148 : memref<80xi32, #tpu.memory_space<vmem>>) semaphore(%arg9 : memref<!tpu.dma_semaphore, #tpu.memory_space<semaphore_mem>>)
    %dma_wait3A_152 = arith.constant 3 : i32
    %dma_wait3A_153 = arith.constant 0 : i32
    %dma_wait3A_154 = arith.constant 0 : i32
    %dma_wait3A_155 = tpu.memref_slice %arg6[%dma_wait3A_152, %dma_wait3A_153, %dma_wait3A_154] : memref<4x80x128xf32, #tpu.memory_space<vmem>> -> memref<1x80x128xf32, #tpu.memory_space<vmem>>
    %dma_wait3A_156 = tpu.memref_squeeze %dma_wait3A_155 : memref<1x80x128xf32, #tpu.memory_space<vmem>> -> memref<80x128xf32, #tpu.memory_space<vmem>>
    %dma_wait3A_157 = arith.constant 0 : i32
    %dma_wait3A_158 = tpu.memref_slice %arg2[%mul3A_60, %dma_wait3A_157] : memref<10240x128xf32, #tpu.memory_space<hbm>> -> memref<80x128xf32, #tpu.memory_space<hbm>>
    %dma_wait3A_159 = arith.constant 0 : i32
    %dma_wait3A_160 = arith.constant 0 : i32
    %dma_wait3A_161 = tpu.memref_slice %arg6[%dma_wait3A_152, %dma_wait3A_159, %dma_wait3A_160] : memref<4x80x128xf32, #tpu.memory_space<vmem>> -> memref<1x80x128xf32, #tpu.memory_space<vmem>>
    %dma_wait3A_162 = tpu.memref_squeeze %dma_wait3A_161 : memref<1x80x128xf32, #tpu.memory_space<vmem>> -> memref<80x128xf32, #tpu.memory_space<vmem>>
    %dma_wait3A_163 = arith.constant 0 : i32
    %dma_wait3A_164 = tpu.memref_slice %arg2[%mul3A_60, %dma_wait3A_163] : memref<10240x128xf32, #tpu.memory_space<hbm>> -> memref<80x128xf32, #tpu.memory_space<hbm>>
    tpu.wait_dma2 semaphore(%arg8 : memref<!tpu.dma_semaphore, #tpu.memory_space<semaphore_mem>>) src(%dma_wait3A_164 : memref<80x128xf32, #tpu.memory_space<hbm>>) dst(%dma_wait3A_162 : memref<80x128xf32, #tpu.memory_space<vmem>>)
    %dma_start3A_165 = arith.constant 3 : i32
    %dma_start3A_166 = arith.constant 3 : i32
    %dma_start3A_167 = arith.constant 0 : i32
    %dma_start3A_168 = arith.constant 0 : i32
    %dma_start3A_169 = tpu.memref_slice %arg6[%dma_start3A_165, %dma_start3A_167, %dma_start3A_168] : memref<4x80x128xf32, #tpu.memory_space<vmem>> -> memref<1x80x128xf32, #tpu.memory_space<vmem>>
    %dma_start3A_170 = tpu.memref_squeeze %dma_start3A_169 : memref<1x80x128xf32, #tpu.memory_space<vmem>> -> memref<80x128xf32, #tpu.memory_space<vmem>>
    %dma_start3A_171 = arith.constant 0 : i32
    %dma_start3A_172 = tpu.memref_slice %arg5[%dma_start3A_166, %dma_start3A_171] : memref<4x80xi32, #tpu.memory_space<vmem>> -> memref<1x80xi32, #tpu.memory_space<vmem>>
    %dma_start3A_173 = tpu.memref_squeeze %dma_start3A_172 : memref<1x80xi32, #tpu.memory_space<vmem>> -> memref<80xi32, #tpu.memory_space<vmem>>
    %dma_start3A_174 = arith.constant 0 : i32
    %dma_start3A_175 = arith.constant 0 : i32
    %dma_start3A_176 = tpu.memref_slice %arg4[%dma_start3A_174, %dma_start3A_175] : memref<8200x128xf32, #tpu.memory_space<hbm>> -> memref<8200x128xf32, #tpu.memory_space<hbm>>
    tpu.enqueue_indirect_dma source(%dma_start3A_170 : memref<80x128xf32, #tpu.memory_space<vmem>>) target(%dma_start3A_176 : memref<8200x128xf32, #tpu.memory_space<hbm>>) offsets(%dma_start3A_173 : memref<80xi32, #tpu.memory_space<vmem>>) semaphore(%arg9 : memref<!tpu.dma_semaphore, #tpu.memory_space<semaphore_mem>>)
    %dma_wait3A_177 = arith.constant 0 : i32
    %dma_wait3A_178 = arith.constant 0 : i32
    %dma_wait3A_179 = arith.constant 0 : i32
    %dma_wait3A_180 = arith.constant 0 : i32
    %dma_wait3A_181 = tpu.memref_slice %arg6[%dma_wait3A_177, %dma_wait3A_179, %dma_wait3A_180] : memref<4x80x128xf32, #tpu.memory_space<vmem>> -> memref<1x80x128xf32, #tpu.memory_space<vmem>>
    %dma_wait3A_182 = tpu.memref_squeeze %dma_wait3A_181 : memref<1x80x128xf32, #tpu.memory_space<vmem>> -> memref<80x128xf32, #tpu.memory_space<vmem>>
    %dma_wait3A_183 = arith.constant 0 : i32
    %dma_wait3A_184 = tpu.memref_slice %arg5[%dma_wait3A_178, %dma_wait3A_183] : memref<4x80xi32, #tpu.memory_space<vmem>> -> memref<1x80xi32, #tpu.memory_space<vmem>>
    %dma_wait3A_185 = tpu.memref_squeeze %dma_wait3A_184 : memref<1x80xi32, #tpu.memory_space<vmem>> -> memref<80xi32, #tpu.memory_space<vmem>>
    %dma_wait3A_186 = arith.constant 0 : i32
    %dma_wait3A_187 = arith.constant 0 : i32
    %dma_wait3A_188 = tpu.memref_slice %arg4[%dma_wait3A_186, %dma_wait3A_187] : memref<8200x128xf32, #tpu.memory_space<hbm>> -> memref<8200x128xf32, #tpu.memory_space<hbm>>
    tpu.wait_indirect_dma semaphore(%arg9 : memref<!tpu.dma_semaphore, #tpu.memory_space<semaphore_mem>>) src(%dma_wait3A_182 : memref<80x128xf32, #tpu.memory_space<vmem>>) dst(%dma_wait3A_188 : memref<8200x128xf32, #tpu.memory_space<hbm>>)
    %dma_wait3A_189 = arith.constant 1 : i32
    %dma_wait3A_190 = arith.constant 1 : i32
    %dma_wait3A_191 = arith.constant 0 : i32
    %dma_wait3A_192 = arith.constant 0 : i32
    %dma_wait3A_193 = tpu.memref_slice %arg6[%dma_wait3A_189, %dma_wait3A_191, %dma_wait3A_192] : memref<4x80x128xf32, #tpu.memory_space<vmem>> -> memref<1x80x128xf32, #tpu.memory_space<vmem>>
    %dma_wait3A_194 = tpu.memref_squeeze %dma_wait3A_193 : memref<1x80x128xf32, #tpu.memory_space<vmem>> -> memref<80x128xf32, #tpu.memory_space<vmem>>
    %dma_wait3A_195 = arith.constant 0 : i32
    %dma_wait3A_196 = tpu.memref_slice %arg5[%dma_wait3A_190, %dma_wait3A_195] : memref<4x80xi32, #tpu.memory_space<vmem>> -> memref<1x80xi32, #tpu.memory_space<vmem>>
    %dma_wait3A_197 = tpu.memref_squeeze %dma_wait3A_196 : memref<1x80xi32, #tpu.memory_space<vmem>> -> memref<80xi32, #tpu.memory_space<vmem>>
    %dma_wait3A_198 = arith.constant 0 : i32
    %dma_wait3A_199 = arith.constant 0 : i32
    %dma_wait3A_200 = tpu.memref_slice %arg4[%dma_wait3A_198, %dma_wait3A_199] : memref<8200x128xf32, #tpu.memory_space<hbm>> -> memref<8200x128xf32, #tpu.memory_space<hbm>>
    tpu.wait_indirect_dma semaphore(%arg9 : memref<!tpu.dma_semaphore, #tpu.memory_space<semaphore_mem>>) src(%dma_wait3A_194 : memref<80x128xf32, #tpu.memory_space<vmem>>) dst(%dma_wait3A_200 : memref<8200x128xf32, #tpu.memory_space<hbm>>)
    %dma_wait3A_201 = arith.constant 2 : i32
    %dma_wait3A_202 = arith.constant 2 : i32
    %dma_wait3A_203 = arith.constant 0 : i32
    %dma_wait3A_204 = arith.constant 0 : i32
    %dma_wait3A_205 = tpu.memref_slice %arg6[%dma_wait3A_201, %dma_wait3A_203, %dma_wait3A_204] : memref<4x80x128xf32, #tpu.memory_space<vmem>> -> memref<1x80x128xf32, #tpu.memory_space<vmem>>
    %dma_wait3A_206 = tpu.memref_squeeze %dma_wait3A_205 : memref<1x80x128xf32, #tpu.memory_space<vmem>> -> memref<80x128xf32, #tpu.memory_space<vmem>>
    %dma_wait3A_207 = arith.constant 0 : i32
    %dma_wait3A_208 = tpu.memref_slice %arg5[%dma_wait3A_202, %dma_wait3A_207] : memref<4x80xi32, #tpu.memory_space<vmem>> -> memref<1x80xi32, #tpu.memory_space<vmem>>
    %dma_wait3A_209 = tpu.memref_squeeze %dma_wait3A_208 : memref<1x80xi32, #tpu.memory_space<vmem>> -> memref<80xi32, #tpu.memory_space<vmem>>
    %dma_wait3A_210 = arith.constant 0 : i32
    %dma_wait3A_211 = arith.constant 0 : i32
    %dma_wait3A_212 = tpu.memref_slice %arg4[%dma_wait3A_210, %dma_wait3A_211] : memref<8200x128xf32, #tpu.memory_space<hbm>> -> memref<8200x128xf32, #tpu.memory_space<hbm>>
    tpu.wait_indirect_dma semaphore(%arg9 : memref<!tpu.dma_semaphore, #tpu.memory_space<semaphore_mem>>) src(%dma_wait3A_206 : memref<80x128xf32, #tpu.memory_space<vmem>>) dst(%dma_wait3A_212 : memref<8200x128xf32, #tpu.memory_space<hbm>>)
    %dma_wait3A_213 = arith.constant 3 : i32
    %dma_wait3A_214 = arith.constant 3 : i32
    %dma_wait3A_215 = arith.constant 0 : i32
    %dma_wait3A_216 = arith.constant 0 : i32
    %dma_wait3A_217 = tpu.memref_slice %arg6[%dma_wait3A_213, %dma_wait3A_215, %dma_wait3A_216] : memref<4x80x128xf32, #tpu.memory_space<vmem>> -> memref<1x80x128xf32, #tpu.memory_space<vmem>>
    %dma_wait3A_218 = tpu.memref_squeeze %dma_wait3A_217 : memref<1x80x128xf32, #tpu.memory_space<vmem>> -> memref<80x128xf32, #tpu.memory_space<vmem>>
    %dma_wait3A_219 = arith.constant 0 : i32
    %dma_wait3A_220 = tpu.memref_slice %arg5[%dma_wait3A_214, %dma_wait3A_219] : memref<4x80xi32, #tpu.memory_space<vmem>> -> memref<1x80xi32, #tpu.memory_space<vmem>>
    %dma_wait3A_221 = tpu.memref_squeeze %dma_wait3A_220 : memref<1x80xi32, #tpu.memory_space<vmem>> -> memref<80xi32, #tpu.memory_space<vmem>>
    %dma_wait3A_222 = arith.constant 0 : i32
    %dma_wait3A_223 = arith.constant 0 : i32
    %dma_wait3A_224 = tpu.memref_slice %arg4[%dma_wait3A_222, %dma_wait3A_223] : memref<8200x128xf32, #tpu.memory_space<hbm>> -> memref<8200x128xf32, #tpu.memory_space<hbm>>
    tpu.wait_indirect_dma semaphore(%arg9 : memref<!tpu.dma_semaphore, #tpu.memory_space<semaphore_mem>>) src(%dma_wait3A_218 : memref<80x128xf32, #tpu.memory_space<vmem>>) dst(%dma_wait3A_224 : memref<8200x128xf32, #tpu.memory_space<hbm>>)
    return
  }
}

module attributes {stable_mosaic.version = 14 : i64} {
  func.func @_mlp_block(%arg0: i32, %arg1: memref<40xi32, #tpu.memory_space<smem>>, %arg2: memref<1xi32, #tpu.memory_space<smem>>, %arg3: memref<256x128xf32, #tpu.memory_space<vmem>>, %arg4: memref<12x40xf32, #tpu.memory_space<vmem>>, %arg5: memref<1x4x256xf32, #tpu.memory_space<vmem>>, %arg6: memref<1x80x256xf32, #tpu.memory_space<vmem>>, %arg7: memref<1x1x256xf32, #tpu.memory_space<vmem>>, %arg8: memref<1x7x256x256xf32, #tpu.memory_space<vmem>>, %arg9: memref<1x7x256xf32, #tpu.memory_space<vmem>>, %arg10: memref<1x7x256xf32, #tpu.memory_space<vmem>>, %arg11: memref<1x256x128xf32, #tpu.memory_space<vmem>>, %arg12: memref<1x1x128xf32, #tpu.memory_space<vmem>>, %arg13: memref<256x128xf32, #tpu.memory_space<vmem>>) attributes {dimension_semantics = [#tpu.dimension_semantics<arbitrary>], iteration_bounds = array<i64: 40>, scalar_prefetch = 2 : i64, scratch_operands = 0 : i64, tpu.core_type = #tpu.core_type<tc>, window_params = [{transform_indices = @transform_0, window_bounds = array<i64: 256, 128>}, {pipeline_mode = #tpu.pipeline_mode<synchronous>, transform_indices = @transform_1, window_bounds = array<i64: 12, 40>}, {transform_indices = @transform_2, window_bounds = array<i64: 1, 4, 256>}, {transform_indices = @transform_3, window_bounds = array<i64: 1, 80, 256>}, {transform_indices = @transform_4, window_bounds = array<i64: 1, 1, 256>}, {transform_indices = @transform_5, window_bounds = array<i64: 1, 7, 256, 256>}, {transform_indices = @transform_6, window_bounds = array<i64: 1, 7, 256>}, {transform_indices = @transform_7, window_bounds = array<i64: 1, 7, 256>}, {transform_indices = @transform_8, window_bounds = array<i64: 1, 256, 128>}, {transform_indices = @transform_9, window_bounds = array<i64: 1, 1, 128>}, {transform_indices = @transform_10, window_bounds = array<i64: 256, 128>}]} {
    %get3A = arith.constant 0 : index
    %get3A_0 = memref.load %arg2[%get3A] : memref<1xi32, #tpu.memory_space<smem>>
    %lt3A = arith.cmpi slt, %arg0, %get3A_0 : i32
    %convert_element_type3A = arith.extui %lt3A : i1 to i32
    %cond3A = arith.constant 0 : i32
    %cond3A_1 = arith.cmpi ne, %convert_element_type3A, %cond3A : i32
    scf.if %cond3A_1 {
      %get3A_2 = arith.constant 0 : index
      %get3A_3 = arith.constant 0 : index
      %get3A_4 = vector.load %arg3[%get3A_2, %get3A_3] : memref<256x128xf32, #tpu.memory_space<vmem>>, vector<256x128xf32>
      %slice3A = vector.extract_strided_slice %get3A_4 {offsets = [0, 0], sizes = [256, 4], strides = [1, 1]} : vector<256x128xf32> to vector<256x4xf32>
      %iota3A = tpu.iota {dimensions = array<i32: 1>} : vector<256x4xi32>
      %lt3A_5 = arith.constant 3 : i32
      %lt3A_6 = vector.broadcast %lt3A_5 : i32 to vector<256x4xi32>
      %lt3A_7 = arith.cmpi slt, %iota3A, %lt3A_6 : vector<256x4xi32>
      %slice3A_8 = vector.extract_strided_slice %get3A_4 {offsets = [0, 3], sizes = [256, 1], strides = [1, 1]} : vector<256x128xf32> to vector<256x1xf32>
      %div3A = vector.broadcast %slice3A_8 : vector<256x1xf32> to vector<256x4xf32>
      %div3A_9 = arith.divf %slice3A, %div3A : vector<256x4xf32>
      %select_n3A = arith.select %lt3A_7, %div3A_9, %slice3A : vector<256x4xi1>, vector<256x4xf32>
      %convert_element_type3A_10 = arith.truncf %select_n3A : vector<256x4xf32> to vector<256x4xbf16>
      %convert_element_type3A_11 = arith.extf %convert_element_type3A_10 : vector<256x4xbf16> to vector<256x4xf32>
      %sub3A = arith.subf %select_n3A, %convert_element_type3A_11 : vector<256x4xf32>
      %convert_element_type3A_12 = arith.truncf %sub3A : vector<256x4xf32> to vector<256x4xbf16>
      %convert_element_type3A_13 = arith.extf %convert_element_type3A_12 : vector<256x4xbf16> to vector<256x4xf32>
      %sub3A_14 = arith.subf %sub3A, %convert_element_type3A_13 : vector<256x4xf32>
      %concatenate3A = tpu.concatenate %convert_element_type3A_11, %convert_element_type3A_13, %sub3A_14 in 1 : vector<256x4xf32>, vector<256x4xf32>, vector<256x4xf32> -> vector<256x12xf32>
      %get3A_15 = arith.constant 0 : index
      %get3A_16 = arith.constant 0 : index
      %get3A_17 = vector.load %arg4[%get3A_15, %get3A_16] : memref<12x40xf32, #tpu.memory_space<vmem>>, vector<12x40xf32>
      %dot_general3A = arith.constant dense<0.000000e+00> : vector<256x40xf32>
      %dot_general3A_18 = tpu.matmul %concatenate3A, %get3A_17, %dot_general3A {dimension_numbers = #tpu.dot_dimension_numbers<[1], [0], [0], [1], [0, 0, 1, 1], [], []>, transpose_lhs_hint = false} : vector<256x12xf32>, vector<12x40xf32>, vector<256x40xf32> -> vector<256x40xf32>
      %mul3A = arith.constant 3.14159274 : f32
      %mul3A_19 = vector.broadcast %mul3A : f32 to vector<256x40xf32>
      %mul3A_20 = arith.mulf %dot_general3A_18, %mul3A_19 : vector<256x40xf32>
      %add3A = arith.constant 1.57079637 : f32
      %add3A_21 = vector.broadcast %add3A : f32 to vector<256x40xf32>
      %add3A_22 = arith.addf %mul3A_20, %add3A_21 : vector<256x40xf32>
      %concatenate3A_23 = tpu.concatenate %mul3A_20, %add3A_22 in 1 : vector<256x40xf32>, vector<256x40xf32> -> vector<256x80xf32>
      %sin3A = math.sin %concatenate3A_23 : vector<256x80xf32>
      %get3A_24 = arith.constant 0 : index
      %get3A_25 = arith.constant 0 : index
      %get3A_26 = arith.constant 0 : index
      %get3A_27 = vector.load %arg5[%get3A_24, %get3A_25, %get3A_26] : memref<1x4x256xf32, #tpu.memory_space<vmem>>, vector<1x4x256xf32>
      %get3A_28 = vector.shape_cast %get3A_27 : vector<1x4x256xf32> to vector<4x256xf32>
      %dot_general3A_29 = arith.constant dense<0.000000e+00> : vector<256x256xf32>
      %dot_general3A_30 = tpu.matmul %select_n3A, %get3A_28, %dot_general3A_29 {dimension_numbers = #tpu.dot_dimension_numbers<[1], [0], [0], [1], [0, 0, 1, 1], [], []>, transpose_lhs_hint = false} : vector<256x4xf32>, vector<4x256xf32>, vector<256x256xf32> -> vector<256x256xf32>
      %get3A_31 = arith.constant 0 : index
      %get3A_32 = arith.constant 0 : index
      %get3A_33 = arith.constant 0 : index
      %get3A_34 = vector.load %arg6[%get3A_31, %get3A_32, %get3A_33] : memref<1x80x256xf32, #tpu.memory_space<vmem>>, vector<1x80x256xf32>
      %get3A_35 = vector.shape_cast %get3A_34 : vector<1x80x256xf32> to vector<80x256xf32>
      %dot_general3A_36 = arith.constant dense<0.000000e+00> : vector<256x256xf32>
      %dot_general3A_37 = tpu.matmul %sin3A, %get3A_35, %dot_general3A_36 {dimension_numbers = #tpu.dot_dimension_numbers<[1], [0], [0], [1], [0, 0, 1, 1], [], []>, transpose_lhs_hint = false} : vector<256x80xf32>, vector<80x256xf32>, vector<256x256xf32> -> vector<256x256xf32>
      %add3A_38 = arith.addf %dot_general3A_30, %dot_general3A_37 : vector<256x256xf32>
      %get3A_39 = arith.constant 0 : index
      %get3A_40 = arith.constant 0 : index
      %get3A_41 = arith.constant 0 : index
      %get3A_42 = vector.load %arg7[%get3A_39, %get3A_40, %get3A_41] : memref<1x1x256xf32, #tpu.memory_space<vmem>>, vector<1x1x256xf32>
      %get3A_43 = vector.shape_cast %get3A_42 : vector<1x1x256xf32> to vector<1x256xf32>
      %add3A_44 = vector.broadcast %get3A_43 : vector<1x256xf32> to vector<256x256xf32>
      %add3A_45 = arith.addf %add3A_38, %add3A_44 : vector<256x256xf32>
      %max3A = arith.constant 0.000000e+00 : f32
      %max3A_46 = vector.broadcast %max3A : f32 to vector<256x256xf32>
      %max3A_47 = arith.maximumf %add3A_45, %max3A_46 : vector<256x256xf32>
      %slice3A_48 = vector.extract_strided_slice %max3A_47 {offsets = [0, 0], sizes = [128, 256], strides = [1, 1]} : vector<256x256xf32> to vector<128x256xf32>
      %slice3A_49 = vector.extract_strided_slice %max3A_47 {offsets = [128, 0], sizes = [128, 256], strides = [1, 1]} : vector<256x256xf32> to vector<128x256xf32>
      %get3A_50 = arith.constant 0 : index
      %get3A_51 = arith.constant 0 : index
      %get3A_52 = arith.constant 0 : index
      %get3A_53 = arith.constant 0 : index
      %get3A_54 = vector.load %arg8[%get3A_50, %get3A_51, %get3A_52, %get3A_53] : memref<1x7x256x256xf32, #tpu.memory_space<vmem>>, vector<1x1x256x256xf32>
      %get3A_55 = vector.shape_cast %get3A_54 : vector<1x1x256x256xf32> to vector<256x256xf32>
      %get3A_56 = arith.constant 0 : index
      %get3A_57 = arith.constant 0 : index
      %get3A_58 = arith.constant 0 : index
      %get3A_59 = vector.load %arg9[%get3A_56, %get3A_57, %get3A_58] : memref<1x7x256xf32, #tpu.memory_space<vmem>>, vector<1x1x256xf32>
      %get3A_60 = vector.shape_cast %get3A_59 : vector<1x1x256xf32> to vector<256xf32>
      %get3A_61 = arith.constant 0 : index
      %get3A_62 = arith.constant 0 : index
      %get3A_63 = arith.constant 0 : index
      %get3A_64 = vector.load %arg10[%get3A_61, %get3A_62, %get3A_63] : memref<1x7x256xf32, #tpu.memory_space<vmem>>, vector<1x1x256xf32>
      %get3A_65 = vector.shape_cast %get3A_64 : vector<1x1x256xf32> to vector<256xf32>
      %dot_general3A_66 = arith.constant dense<0.000000e+00> : vector<128x256xf32>
      %dot_general3A_67 = tpu.matmul %slice3A_48, %get3A_55, %dot_general3A_66 {dimension_numbers = #tpu.dot_dimension_numbers<[1], [0], [0], [1], [0, 0, 1, 1], [], []>, transpose_lhs_hint = false} : vector<128x256xf32>, vector<256x256xf32>, vector<128x256xf32> -> vector<128x256xf32>
      %broadcast_in_dim3A = vector.shape_cast %get3A_60 : vector<256xf32> to vector<1x256xf32>
      %add3A_68 = vector.broadcast %broadcast_in_dim3A : vector<1x256xf32> to vector<128x256xf32>
      %add3A_69 = arith.addf %dot_general3A_67, %add3A_68 : vector<128x256xf32>
      %dot_general3A_70 = arith.constant dense<0.000000e+00> : vector<128x256xf32>
      %dot_general3A_71 = tpu.matmul %slice3A_49, %get3A_55, %dot_general3A_70 {dimension_numbers = #tpu.dot_dimension_numbers<[1], [0], [0], [1], [0, 0, 1, 1], [], []>, transpose_lhs_hint = false} : vector<128x256xf32>, vector<256x256xf32>, vector<128x256xf32> -> vector<128x256xf32>
      %broadcast_in_dim3A_72 = vector.shape_cast %get3A_60 : vector<256xf32> to vector<1x256xf32>
      %add3A_73 = vector.broadcast %broadcast_in_dim3A_72 : vector<1x256xf32> to vector<128x256xf32>
      %add3A_74 = arith.addf %dot_general3A_71, %add3A_73 : vector<128x256xf32>
      %max3A_75 = arith.constant 0.000000e+00 : f32
      %max3A_76 = vector.broadcast %max3A_75 : f32 to vector<128x256xf32>
      %max3A_77 = arith.maximumf %add3A_69, %max3A_76 : vector<128x256xf32>
      %broadcast_in_dim3A_78 = vector.shape_cast %get3A_65 : vector<256xf32> to vector<1x256xf32>
      %mul3A_79 = vector.broadcast %broadcast_in_dim3A_78 : vector<1x256xf32> to vector<128x256xf32>
      %mul3A_80 = arith.mulf %mul3A_79, %max3A_77 : vector<128x256xf32>
      %add3A_81 = arith.addf %mul3A_80, %slice3A_48 : vector<128x256xf32>
      %max3A_82 = arith.constant 0.000000e+00 : f32
      %max3A_83 = vector.broadcast %max3A_82 : f32 to vector<128x256xf32>
      %max3A_84 = arith.maximumf %add3A_74, %max3A_83 : vector<128x256xf32>
      %broadcast_in_dim3A_85 = vector.shape_cast %get3A_65 : vector<256xf32> to vector<1x256xf32>
      %mul3A_86 = vector.broadcast %broadcast_in_dim3A_85 : vector<1x256xf32> to vector<128x256xf32>
      %mul3A_87 = arith.mulf %mul3A_86, %max3A_84 : vector<128x256xf32>
      %add3A_88 = arith.addf %mul3A_87, %slice3A_49 : vector<128x256xf32>
      %get3A_89 = arith.constant 0 : index
      %get3A_90 = arith.constant 1 : index
      %get3A_91 = arith.constant 0 : index
      %get3A_92 = arith.constant 0 : index
      %get3A_93 = vector.load %arg8[%get3A_89, %get3A_90, %get3A_91, %get3A_92] : memref<1x7x256x256xf32, #tpu.memory_space<vmem>>, vector<1x1x256x256xf32>
      %get3A_94 = vector.shape_cast %get3A_93 : vector<1x1x256x256xf32> to vector<256x256xf32>
      %get3A_95 = arith.constant 0 : index
      %get3A_96 = arith.constant 1 : index
      %get3A_97 = arith.constant 0 : index
      %get3A_98 = vector.load %arg9[%get3A_95, %get3A_96, %get3A_97] : memref<1x7x256xf32, #tpu.memory_space<vmem>>, vector<1x1x256xf32>
      %get3A_99 = vector.shape_cast %get3A_98 : vector<1x1x256xf32> to vector<256xf32>
      %get3A_100 = arith.constant 0 : index
      %get3A_101 = arith.constant 1 : index
      %get3A_102 = arith.constant 0 : index
      %get3A_103 = vector.load %arg10[%get3A_100, %get3A_101, %get3A_102] : memref<1x7x256xf32, #tpu.memory_space<vmem>>, vector<1x1x256xf32>
      %get3A_104 = vector.shape_cast %get3A_103 : vector<1x1x256xf32> to vector<256xf32>
      %dot_general3A_105 = arith.constant dense<0.000000e+00> : vector<128x256xf32>
      %dot_general3A_106 = tpu.matmul %add3A_81, %get3A_94, %dot_general3A_105 {dimension_numbers = #tpu.dot_dimension_numbers<[1], [0], [0], [1], [0, 0, 1, 1], [], []>, transpose_lhs_hint = false} : vector<128x256xf32>, vector<256x256xf32>, vector<128x256xf32> -> vector<128x256xf32>
      %broadcast_in_dim3A_107 = vector.shape_cast %get3A_99 : vector<256xf32> to vector<1x256xf32>
      %add3A_108 = vector.broadcast %broadcast_in_dim3A_107 : vector<1x256xf32> to vector<128x256xf32>
      %add3A_109 = arith.addf %dot_general3A_106, %add3A_108 : vector<128x256xf32>
      %dot_general3A_110 = arith.constant dense<0.000000e+00> : vector<128x256xf32>
      %dot_general3A_111 = tpu.matmul %add3A_88, %get3A_94, %dot_general3A_110 {dimension_numbers = #tpu.dot_dimension_numbers<[1], [0], [0], [1], [0, 0, 1, 1], [], []>, transpose_lhs_hint = false} : vector<128x256xf32>, vector<256x256xf32>, vector<128x256xf32> -> vector<128x256xf32>
      %broadcast_in_dim3A_112 = vector.shape_cast %get3A_99 : vector<256xf32> to vector<1x256xf32>
      %add3A_113 = vector.broadcast %broadcast_in_dim3A_112 : vector<1x256xf32> to vector<128x256xf32>
      %add3A_114 = arith.addf %dot_general3A_111, %add3A_113 : vector<128x256xf32>
      %max3A_115 = arith.constant 0.000000e+00 : f32
      %max3A_116 = vector.broadcast %max3A_115 : f32 to vector<128x256xf32>
      %max3A_117 = arith.maximumf %add3A_109, %max3A_116 : vector<128x256xf32>
      %broadcast_in_dim3A_118 = vector.shape_cast %get3A_104 : vector<256xf32> to vector<1x256xf32>
      %mul3A_119 = vector.broadcast %broadcast_in_dim3A_118 : vector<1x256xf32> to vector<128x256xf32>
      %mul3A_120 = arith.mulf %mul3A_119, %max3A_117 : vector<128x256xf32>
      %add3A_121 = arith.addf %mul3A_120, %add3A_81 : vector<128x256xf32>
      %max3A_122 = arith.constant 0.000000e+00 : f32
      %max3A_123 = vector.broadcast %max3A_122 : f32 to vector<128x256xf32>
      %max3A_124 = arith.maximumf %add3A_114, %max3A_123 : vector<128x256xf32>
      %broadcast_in_dim3A_125 = vector.shape_cast %get3A_104 : vector<256xf32> to vector<1x256xf32>
      %mul3A_126 = vector.broadcast %broadcast_in_dim3A_125 : vector<1x256xf32> to vector<128x256xf32>
      %mul3A_127 = arith.mulf %mul3A_126, %max3A_124 : vector<128x256xf32>
      %add3A_128 = arith.addf %mul3A_127, %add3A_88 : vector<128x256xf32>
      %get3A_129 = arith.constant 0 : index
      %get3A_130 = arith.constant 2 : index
      %get3A_131 = arith.constant 0 : index
      %get3A_132 = arith.constant 0 : index
      %get3A_133 = vector.load %arg8[%get3A_129, %get3A_130, %get3A_131, %get3A_132] : memref<1x7x256x256xf32, #tpu.memory_space<vmem>>, vector<1x1x256x256xf32>
      %get3A_134 = vector.shape_cast %get3A_133 : vector<1x1x256x256xf32> to vector<256x256xf32>
      %get3A_135 = arith.constant 0 : index
      %get3A_136 = arith.constant 2 : index
      %get3A_137 = arith.constant 0 : index
      %get3A_138 = vector.load %arg9[%get3A_135, %get3A_136, %get3A_137] : memref<1x7x256xf32, #tpu.memory_space<vmem>>, vector<1x1x256xf32>
      %get3A_139 = vector.shape_cast %get3A_138 : vector<1x1x256xf32> to vector<256xf32>
      %get3A_140 = arith.constant 0 : index
      %get3A_141 = arith.constant 2 : index
      %get3A_142 = arith.constant 0 : index
      %get3A_143 = vector.load %arg10[%get3A_140, %get3A_141, %get3A_142] : memref<1x7x256xf32, #tpu.memory_space<vmem>>, vector<1x1x256xf32>
      %get3A_144 = vector.shape_cast %get3A_143 : vector<1x1x256xf32> to vector<256xf32>
      %dot_general3A_145 = arith.constant dense<0.000000e+00> : vector<128x256xf32>
      %dot_general3A_146 = tpu.matmul %add3A_121, %get3A_134, %dot_general3A_145 {dimension_numbers = #tpu.dot_dimension_numbers<[1], [0], [0], [1], [0, 0, 1, 1], [], []>, transpose_lhs_hint = false} : vector<128x256xf32>, vector<256x256xf32>, vector<128x256xf32> -> vector<128x256xf32>
      %broadcast_in_dim3A_147 = vector.shape_cast %get3A_139 : vector<256xf32> to vector<1x256xf32>
      %add3A_148 = vector.broadcast %broadcast_in_dim3A_147 : vector<1x256xf32> to vector<128x256xf32>
      %add3A_149 = arith.addf %dot_general3A_146, %add3A_148 : vector<128x256xf32>
      %dot_general3A_150 = arith.constant dense<0.000000e+00> : vector<128x256xf32>
      %dot_general3A_151 = tpu.matmul %add3A_128, %get3A_134, %dot_general3A_150 {dimension_numbers = #tpu.dot_dimension_numbers<[1], [0], [0], [1], [0, 0, 1, 1], [], []>, transpose_lhs_hint = false} : vector<128x256xf32>, vector<256x256xf32>, vector<128x256xf32> -> vector<128x256xf32>
      %broadcast_in_dim3A_152 = vector.shape_cast %get3A_139 : vector<256xf32> to vector<1x256xf32>
      %add3A_153 = vector.broadcast %broadcast_in_dim3A_152 : vector<1x256xf32> to vector<128x256xf32>
      %add3A_154 = arith.addf %dot_general3A_151, %add3A_153 : vector<128x256xf32>
      %max3A_155 = arith.constant 0.000000e+00 : f32
      %max3A_156 = vector.broadcast %max3A_155 : f32 to vector<128x256xf32>
      %max3A_157 = arith.maximumf %add3A_149, %max3A_156 : vector<128x256xf32>
      %broadcast_in_dim3A_158 = vector.shape_cast %get3A_144 : vector<256xf32> to vector<1x256xf32>
      %mul3A_159 = vector.broadcast %broadcast_in_dim3A_158 : vector<1x256xf32> to vector<128x256xf32>
      %mul3A_160 = arith.mulf %mul3A_159, %max3A_157 : vector<128x256xf32>
      %add3A_161 = arith.addf %mul3A_160, %add3A_121 : vector<128x256xf32>
      %max3A_162 = arith.constant 0.000000e+00 : f32
      %max3A_163 = vector.broadcast %max3A_162 : f32 to vector<128x256xf32>
      %max3A_164 = arith.maximumf %add3A_154, %max3A_163 : vector<128x256xf32>
      %broadcast_in_dim3A_165 = vector.shape_cast %get3A_144 : vector<256xf32> to vector<1x256xf32>
      %mul3A_166 = vector.broadcast %broadcast_in_dim3A_165 : vector<1x256xf32> to vector<128x256xf32>
      %mul3A_167 = arith.mulf %mul3A_166, %max3A_164 : vector<128x256xf32>
      %add3A_168 = arith.addf %mul3A_167, %add3A_128 : vector<128x256xf32>
      %get3A_169 = arith.constant 0 : index
      %get3A_170 = arith.constant 3 : index
      %get3A_171 = arith.constant 0 : index
      %get3A_172 = arith.constant 0 : index
      %get3A_173 = vector.load %arg8[%get3A_169, %get3A_170, %get3A_171, %get3A_172] : memref<1x7x256x256xf32, #tpu.memory_space<vmem>>, vector<1x1x256x256xf32>
      %get3A_174 = vector.shape_cast %get3A_173 : vector<1x1x256x256xf32> to vector<256x256xf32>
      %get3A_175 = arith.constant 0 : index
      %get3A_176 = arith.constant 3 : index
      %get3A_177 = arith.constant 0 : index
      %get3A_178 = vector.load %arg9[%get3A_175, %get3A_176, %get3A_177] : memref<1x7x256xf32, #tpu.memory_space<vmem>>, vector<1x1x256xf32>
      %get3A_179 = vector.shape_cast %get3A_178 : vector<1x1x256xf32> to vector<256xf32>
      %get3A_180 = arith.constant 0 : index
      %get3A_181 = arith.constant 3 : index
      %get3A_182 = arith.constant 0 : index
      %get3A_183 = vector.load %arg10[%get3A_180, %get3A_181, %get3A_182] : memref<1x7x256xf32, #tpu.memory_space<vmem>>, vector<1x1x256xf32>
      %get3A_184 = vector.shape_cast %get3A_183 : vector<1x1x256xf32> to vector<256xf32>
      %dot_general3A_185 = arith.constant dense<0.000000e+00> : vector<128x256xf32>
      %dot_general3A_186 = tpu.matmul %add3A_161, %get3A_174, %dot_general3A_185 {dimension_numbers = #tpu.dot_dimension_numbers<[1], [0], [0], [1], [0, 0, 1, 1], [], []>, transpose_lhs_hint = false} : vector<128x256xf32>, vector<256x256xf32>, vector<128x256xf32> -> vector<128x256xf32>
      %broadcast_in_dim3A_187 = vector.shape_cast %get3A_179 : vector<256xf32> to vector<1x256xf32>
      %add3A_188 = vector.broadcast %broadcast_in_dim3A_187 : vector<1x256xf32> to vector<128x256xf32>
      %add3A_189 = arith.addf %dot_general3A_186, %add3A_188 : vector<128x256xf32>
      %dot_general3A_190 = arith.constant dense<0.000000e+00> : vector<128x256xf32>
      %dot_general3A_191 = tpu.matmul %add3A_168, %get3A_174, %dot_general3A_190 {dimension_numbers = #tpu.dot_dimension_numbers<[1], [0], [0], [1], [0, 0, 1, 1], [], []>, transpose_lhs_hint = false} : vector<128x256xf32>, vector<256x256xf32>, vector<128x256xf32> -> vector<128x256xf32>
      %broadcast_in_dim3A_192 = vector.shape_cast %get3A_179 : vector<256xf32> to vector<1x256xf32>
      %add3A_193 = vector.broadcast %broadcast_in_dim3A_192 : vector<1x256xf32> to vector<128x256xf32>
      %add3A_194 = arith.addf %dot_general3A_191, %add3A_193 : vector<128x256xf32>
      %max3A_195 = arith.constant 0.000000e+00 : f32
      %max3A_196 = vector.broadcast %max3A_195 : f32 to vector<128x256xf32>
      %max3A_197 = arith.maximumf %add3A_189, %max3A_196 : vector<128x256xf32>
      %broadcast_in_dim3A_198 = vector.shape_cast %get3A_184 : vector<256xf32> to vector<1x256xf32>
      %mul3A_199 = vector.broadcast %broadcast_in_dim3A_198 : vector<1x256xf32> to vector<128x256xf32>
      %mul3A_200 = arith.mulf %mul3A_199, %max3A_197 : vector<128x256xf32>
      %add3A_201 = arith.addf %mul3A_200, %add3A_161 : vector<128x256xf32>
      %max3A_202 = arith.constant 0.000000e+00 : f32
      %max3A_203 = vector.broadcast %max3A_202 : f32 to vector<128x256xf32>
      %max3A_204 = arith.maximumf %add3A_194, %max3A_203 : vector<128x256xf32>
      %broadcast_in_dim3A_205 = vector.shape_cast %get3A_184 : vector<256xf32> to vector<1x256xf32>
      %mul3A_206 = vector.broadcast %broadcast_in_dim3A_205 : vector<1x256xf32> to vector<128x256xf32>
      %mul3A_207 = arith.mulf %mul3A_206, %max3A_204 : vector<128x256xf32>
      %add3A_208 = arith.addf %mul3A_207, %add3A_168 : vector<128x256xf32>
      %get3A_209 = arith.constant 0 : index
      %get3A_210 = arith.constant 4 : index
      %get3A_211 = arith.constant 0 : index
      %get3A_212 = arith.constant 0 : index
      %get3A_213 = vector.load %arg8[%get3A_209, %get3A_210, %get3A_211, %get3A_212] : memref<1x7x256x256xf32, #tpu.memory_space<vmem>>, vector<1x1x256x256xf32>
      %get3A_214 = vector.shape_cast %get3A_213 : vector<1x1x256x256xf32> to vector<256x256xf32>
      %get3A_215 = arith.constant 0 : index
      %get3A_216 = arith.constant 4 : index
      %get3A_217 = arith.constant 0 : index
      %get3A_218 = vector.load %arg9[%get3A_215, %get3A_216, %get3A_217] : memref<1x7x256xf32, #tpu.memory_space<vmem>>, vector<1x1x256xf32>
      %get3A_219 = vector.shape_cast %get3A_218 : vector<1x1x256xf32> to vector<256xf32>
      %get3A_220 = arith.constant 0 : index
      %get3A_221 = arith.constant 4 : index
      %get3A_222 = arith.constant 0 : index
      %get3A_223 = vector.load %arg10[%get3A_220, %get3A_221, %get3A_222] : memref<1x7x256xf32, #tpu.memory_space<vmem>>, vector<1x1x256xf32>
      %get3A_224 = vector.shape_cast %get3A_223 : vector<1x1x256xf32> to vector<256xf32>
      %dot_general3A_225 = arith.constant dense<0.000000e+00> : vector<128x256xf32>
      %dot_general3A_226 = tpu.matmul %add3A_201, %get3A_214, %dot_general3A_225 {dimension_numbers = #tpu.dot_dimension_numbers<[1], [0], [0], [1], [0, 0, 1, 1], [], []>, transpose_lhs_hint = false} : vector<128x256xf32>, vector<256x256xf32>, vector<128x256xf32> -> vector<128x256xf32>
      %broadcast_in_dim3A_227 = vector.shape_cast %get3A_219 : vector<256xf32> to vector<1x256xf32>
      %add3A_228 = vector.broadcast %broadcast_in_dim3A_227 : vector<1x256xf32> to vector<128x256xf32>
      %add3A_229 = arith.addf %dot_general3A_226, %add3A_228 : vector<128x256xf32>
      %dot_general3A_230 = arith.constant dense<0.000000e+00> : vector<128x256xf32>
      %dot_general3A_231 = tpu.matmul %add3A_208, %get3A_214, %dot_general3A_230 {dimension_numbers = #tpu.dot_dimension_numbers<[1], [0], [0], [1], [0, 0, 1, 1], [], []>, transpose_lhs_hint = false} : vector<128x256xf32>, vector<256x256xf32>, vector<128x256xf32> -> vector<128x256xf32>
      %broadcast_in_dim3A_232 = vector.shape_cast %get3A_219 : vector<256xf32> to vector<1x256xf32>
      %add3A_233 = vector.broadcast %broadcast_in_dim3A_232 : vector<1x256xf32> to vector<128x256xf32>
      %add3A_234 = arith.addf %dot_general3A_231, %add3A_233 : vector<128x256xf32>
      %max3A_235 = arith.constant 0.000000e+00 : f32
      %max3A_236 = vector.broadcast %max3A_235 : f32 to vector<128x256xf32>
      %max3A_237 = arith.maximumf %add3A_229, %max3A_236 : vector<128x256xf32>
      %broadcast_in_dim3A_238 = vector.shape_cast %get3A_224 : vector<256xf32> to vector<1x256xf32>
      %mul3A_239 = vector.broadcast %broadcast_in_dim3A_238 : vector<1x256xf32> to vector<128x256xf32>
      %mul3A_240 = arith.mulf %mul3A_239, %max3A_237 : vector<128x256xf32>
      %add3A_241 = arith.addf %mul3A_240, %add3A_201 : vector<128x256xf32>
      %max3A_242 = arith.constant 0.000000e+00 : f32
      %max3A_243 = vector.broadcast %max3A_242 : f32 to vector<128x256xf32>
      %max3A_244 = arith.maximumf %add3A_234, %max3A_243 : vector<128x256xf32>
      %broadcast_in_dim3A_245 = vector.shape_cast %get3A_224 : vector<256xf32> to vector<1x256xf32>
      %mul3A_246 = vector.broadcast %broadcast_in_dim3A_245 : vector<1x256xf32> to vector<128x256xf32>
      %mul3A_247 = arith.mulf %mul3A_246, %max3A_244 : vector<128x256xf32>
      %add3A_248 = arith.addf %mul3A_247, %add3A_208 : vector<128x256xf32>
      %get3A_249 = arith.constant 0 : index
      %get3A_250 = arith.constant 5 : index
      %get3A_251 = arith.constant 0 : index
      %get3A_252 = arith.constant 0 : index
      %get3A_253 = vector.load %arg8[%get3A_249, %get3A_250, %get3A_251, %get3A_252] : memref<1x7x256x256xf32, #tpu.memory_space<vmem>>, vector<1x1x256x256xf32>
      %get3A_254 = vector.shape_cast %get3A_253 : vector<1x1x256x256xf32> to vector<256x256xf32>
      %get3A_255 = arith.constant 0 : index
      %get3A_256 = arith.constant 5 : index
      %get3A_257 = arith.constant 0 : index
      %get3A_258 = vector.load %arg9[%get3A_255, %get3A_256, %get3A_257] : memref<1x7x256xf32, #tpu.memory_space<vmem>>, vector<1x1x256xf32>
      %get3A_259 = vector.shape_cast %get3A_258 : vector<1x1x256xf32> to vector<256xf32>
      %get3A_260 = arith.constant 0 : index
      %get3A_261 = arith.constant 5 : index
      %get3A_262 = arith.constant 0 : index
      %get3A_263 = vector.load %arg10[%get3A_260, %get3A_261, %get3A_262] : memref<1x7x256xf32, #tpu.memory_space<vmem>>, vector<1x1x256xf32>
      %get3A_264 = vector.shape_cast %get3A_263 : vector<1x1x256xf32> to vector<256xf32>
      %dot_general3A_265 = arith.constant dense<0.000000e+00> : vector<128x256xf32>
      %dot_general3A_266 = tpu.matmul %add3A_241, %get3A_254, %dot_general3A_265 {dimension_numbers = #tpu.dot_dimension_numbers<[1], [0], [0], [1], [0, 0, 1, 1], [], []>, transpose_lhs_hint = false} : vector<128x256xf32>, vector<256x256xf32>, vector<128x256xf32> -> vector<128x256xf32>
      %broadcast_in_dim3A_267 = vector.shape_cast %get3A_259 : vector<256xf32> to vector<1x256xf32>
      %add3A_268 = vector.broadcast %broadcast_in_dim3A_267 : vector<1x256xf32> to vector<128x256xf32>
      %add3A_269 = arith.addf %dot_general3A_266, %add3A_268 : vector<128x256xf32>
      %dot_general3A_270 = arith.constant dense<0.000000e+00> : vector<128x256xf32>
      %dot_general3A_271 = tpu.matmul %add3A_248, %get3A_254, %dot_general3A_270 {dimension_numbers = #tpu.dot_dimension_numbers<[1], [0], [0], [1], [0, 0, 1, 1], [], []>, transpose_lhs_hint = false} : vector<128x256xf32>, vector<256x256xf32>, vector<128x256xf32> -> vector<128x256xf32>
      %broadcast_in_dim3A_272 = vector.shape_cast %get3A_259 : vector<256xf32> to vector<1x256xf32>
      %add3A_273 = vector.broadcast %broadcast_in_dim3A_272 : vector<1x256xf32> to vector<128x256xf32>
      %add3A_274 = arith.addf %dot_general3A_271, %add3A_273 : vector<128x256xf32>
      %max3A_275 = arith.constant 0.000000e+00 : f32
      %max3A_276 = vector.broadcast %max3A_275 : f32 to vector<128x256xf32>
      %max3A_277 = arith.maximumf %add3A_269, %max3A_276 : vector<128x256xf32>
      %broadcast_in_dim3A_278 = vector.shape_cast %get3A_264 : vector<256xf32> to vector<1x256xf32>
      %mul3A_279 = vector.broadcast %broadcast_in_dim3A_278 : vector<1x256xf32> to vector<128x256xf32>
      %mul3A_280 = arith.mulf %mul3A_279, %max3A_277 : vector<128x256xf32>
      %add3A_281 = arith.addf %mul3A_280, %add3A_241 : vector<128x256xf32>
      %max3A_282 = arith.constant 0.000000e+00 : f32
      %max3A_283 = vector.broadcast %max3A_282 : f32 to vector<128x256xf32>
      %max3A_284 = arith.maximumf %add3A_274, %max3A_283 : vector<128x256xf32>
      %broadcast_in_dim3A_285 = vector.shape_cast %get3A_264 : vector<256xf32> to vector<1x256xf32>
      %mul3A_286 = vector.broadcast %broadcast_in_dim3A_285 : vector<1x256xf32> to vector<128x256xf32>
      %mul3A_287 = arith.mulf %mul3A_286, %max3A_284 : vector<128x256xf32>
      %add3A_288 = arith.addf %mul3A_287, %add3A_248 : vector<128x256xf32>
      %get3A_289 = arith.constant 0 : index
      %get3A_290 = arith.constant 6 : index
      %get3A_291 = arith.constant 0 : index
      %get3A_292 = arith.constant 0 : index
      %get3A_293 = vector.load %arg8[%get3A_289, %get3A_290, %get3A_291, %get3A_292] : memref<1x7x256x256xf32, #tpu.memory_space<vmem>>, vector<1x1x256x256xf32>
      %get3A_294 = vector.shape_cast %get3A_293 : vector<1x1x256x256xf32> to vector<256x256xf32>
      %get3A_295 = arith.constant 0 : index
      %get3A_296 = arith.constant 6 : index
      %get3A_297 = arith.constant 0 : index
      %get3A_298 = vector.load %arg9[%get3A_295, %get3A_296, %get3A_297] : memref<1x7x256xf32, #tpu.memory_space<vmem>>, vector<1x1x256xf32>
      %get3A_299 = vector.shape_cast %get3A_298 : vector<1x1x256xf32> to vector<256xf32>
      %get3A_300 = arith.constant 0 : index
      %get3A_301 = arith.constant 6 : index
      %get3A_302 = arith.constant 0 : index
      %get3A_303 = vector.load %arg10[%get3A_300, %get3A_301, %get3A_302] : memref<1x7x256xf32, #tpu.memory_space<vmem>>, vector<1x1x256xf32>
      %get3A_304 = vector.shape_cast %get3A_303 : vector<1x1x256xf32> to vector<256xf32>
      %dot_general3A_305 = arith.constant dense<0.000000e+00> : vector<128x256xf32>
      %dot_general3A_306 = tpu.matmul %add3A_281, %get3A_294, %dot_general3A_305 {dimension_numbers = #tpu.dot_dimension_numbers<[1], [0], [0], [1], [0, 0, 1, 1], [], []>, transpose_lhs_hint = false} : vector<128x256xf32>, vector<256x256xf32>, vector<128x256xf32> -> vector<128x256xf32>
      %broadcast_in_dim3A_307 = vector.shape_cast %get3A_299 : vector<256xf32> to vector<1x256xf32>
      %add3A_308 = vector.broadcast %broadcast_in_dim3A_307 : vector<1x256xf32> to vector<128x256xf32>
      %add3A_309 = arith.addf %dot_general3A_306, %add3A_308 : vector<128x256xf32>
      %dot_general3A_310 = arith.constant dense<0.000000e+00> : vector<128x256xf32>
      %dot_general3A_311 = tpu.matmul %add3A_288, %get3A_294, %dot_general3A_310 {dimension_numbers = #tpu.dot_dimension_numbers<[1], [0], [0], [1], [0, 0, 1, 1], [], []>, transpose_lhs_hint = false} : vector<128x256xf32>, vector<256x256xf32>, vector<128x256xf32> -> vector<128x256xf32>
      %broadcast_in_dim3A_312 = vector.shape_cast %get3A_299 : vector<256xf32> to vector<1x256xf32>
      %add3A_313 = vector.broadcast %broadcast_in_dim3A_312 : vector<1x256xf32> to vector<128x256xf32>
      %add3A_314 = arith.addf %dot_general3A_311, %add3A_313 : vector<128x256xf32>
      %max3A_315 = arith.constant 0.000000e+00 : f32
      %max3A_316 = vector.broadcast %max3A_315 : f32 to vector<128x256xf32>
      %max3A_317 = arith.maximumf %add3A_309, %max3A_316 : vector<128x256xf32>
      %broadcast_in_dim3A_318 = vector.shape_cast %get3A_304 : vector<256xf32> to vector<1x256xf32>
      %mul3A_319 = vector.broadcast %broadcast_in_dim3A_318 : vector<1x256xf32> to vector<128x256xf32>
      %mul3A_320 = arith.mulf %mul3A_319, %max3A_317 : vector<128x256xf32>
      %add3A_321 = arith.addf %mul3A_320, %add3A_281 : vector<128x256xf32>
      %max3A_322 = arith.constant 0.000000e+00 : f32
      %max3A_323 = vector.broadcast %max3A_322 : f32 to vector<128x256xf32>
      %max3A_324 = arith.maximumf %add3A_314, %max3A_323 : vector<128x256xf32>
      %broadcast_in_dim3A_325 = vector.shape_cast %get3A_304 : vector<256xf32> to vector<1x256xf32>
      %mul3A_326 = vector.broadcast %broadcast_in_dim3A_325 : vector<1x256xf32> to vector<128x256xf32>
      %mul3A_327 = arith.mulf %mul3A_326, %max3A_324 : vector<128x256xf32>
      %add3A_328 = arith.addf %mul3A_327, %add3A_288 : vector<128x256xf32>
      %concatenate3A_329 = tpu.concatenate %add3A_321, %add3A_328 in 0 : vector<128x256xf32>, vector<128x256xf32> -> vector<256x256xf32>
      %get3A_330 = arith.constant 0 : index
      %get3A_331 = arith.constant 0 : index
      %get3A_332 = arith.constant 0 : index
      %get3A_333 = vector.load %arg11[%get3A_330, %get3A_331, %get3A_332] : memref<1x256x128xf32, #tpu.memory_space<vmem>>, vector<1x256x128xf32>
      %get3A_334 = vector.shape_cast %get3A_333 : vector<1x256x128xf32> to vector<256x128xf32>
      %dot_general3A_335 = arith.constant dense<0.000000e+00> : vector<256x128xf32>
      %dot_general3A_336 = tpu.matmul %concatenate3A_329, %get3A_334, %dot_general3A_335 {dimension_numbers = #tpu.dot_dimension_numbers<[1], [0], [0], [1], [0, 0, 1, 1], [], []>, transpose_lhs_hint = false} : vector<256x256xf32>, vector<256x128xf32>, vector<256x128xf32> -> vector<256x128xf32>
      %get3A_337 = arith.constant 0 : index
      %get3A_338 = arith.constant 0 : index
      %get3A_339 = arith.constant 0 : index
      %get3A_340 = vector.load %arg12[%get3A_337, %get3A_338, %get3A_339] : memref<1x1x128xf32, #tpu.memory_space<vmem>>, vector<1x1x128xf32>
      %get3A_341 = vector.shape_cast %get3A_340 : vector<1x1x128xf32> to vector<1x128xf32>
      %add3A_342 = vector.broadcast %get3A_341 : vector<1x128xf32> to vector<256x128xf32>
      %add3A_343 = arith.addf %dot_general3A_336, %add3A_342 : vector<256x128xf32>
      %slice3A_344 = vector.extract_strided_slice %get3A_4 {offsets = [0, 4], sizes = [256, 1], strides = [1, 1]} : vector<256x128xf32> to vector<256x1xf32>
      %div3A_345 = vector.broadcast %slice3A_344 : vector<256x1xf32> to vector<256x128xf32>
      %div3A_346 = arith.divf %add3A_343, %div3A_345 : vector<256x128xf32>
      %swap3A = arith.constant 0 : index
      %swap3A_347 = arith.constant 0 : index
      %swap3A_348 = vector.load %arg13[%swap3A, %swap3A_347] : memref<256x128xf32, #tpu.memory_space<vmem>>, vector<256x128xf32>
      tpu.vector_store %arg13[%swap3A, %swap3A_347], %div3A_346 {strides = array<i32>} : memref<256x128xf32, #tpu.memory_space<vmem>>, vector<256x128xf32>,
    } else {
    }
    return
  }
  func.func @transform_0(%arg0: i32, %arg1: memref<40xi32, #tpu.memory_space<smem>>, %arg2: memref<1xi32, #tpu.memory_space<smem>>) -> (i32, i32) {
    %c0_i32 = arith.constant 0 : i32
    %c0_i32_0 = arith.constant 0 : i32
    return %arg0, %c0_i32 : i32, i32
  }
  func.func @transform_1(%arg0: i32, %arg1: memref<40xi32, #tpu.memory_space<smem>>, %arg2: memref<1xi32, #tpu.memory_space<smem>>) -> (i32, i32) {
    %c0_i32 = arith.constant 0 : i32
    %c0_i32_0 = arith.constant 0 : i32
    %c0_i32_1 = arith.constant 0 : i32
    return %c0_i32, %c0_i32_0 : i32, i32
  }
  func.func @transform_2(%arg0: i32, %arg1: memref<40xi32, #tpu.memory_space<smem>>, %arg2: memref<1xi32, #tpu.memory_space<smem>>) -> (i32, i32, i32) {
    %get3A = arith.index_cast %arg0 : i32 to index
    %get3A_0 = memref.load %arg1[%get3A] : memref<40xi32, #tpu.memory_space<smem>>
    %c0_i32 = arith.constant 0 : i32
    %c0_i32_1 = arith.constant 0 : i32
    %c0_i32_2 = arith.constant 0 : i32
    return %get3A_0, %c0_i32, %c0_i32_1 : i32, i32, i32
  }
  func.func @transform_3(%arg0: i32, %arg1: memref<40xi32, #tpu.memory_space<smem>>, %arg2: memref<1xi32, #tpu.memory_space<smem>>) -> (i32, i32, i32) {
    %get3A = arith.index_cast %arg0 : i32 to index
    %get3A_0 = memref.load %arg1[%get3A] : memref<40xi32, #tpu.memory_space<smem>>
    %c0_i32 = arith.constant 0 : i32
    %c0_i32_1 = arith.constant 0 : i32
    %c0_i32_2 = arith.constant 0 : i32
    return %get3A_0, %c0_i32, %c0_i32_1 : i32, i32, i32
  }
  func.func @transform_4(%arg0: i32, %arg1: memref<40xi32, #tpu.memory_space<smem>>, %arg2: memref<1xi32, #tpu.memory_space<smem>>) -> (i32, i32, i32) {
    %get3A = arith.index_cast %arg0 : i32 to index
    %get3A_0 = memref.load %arg1[%get3A] : memref<40xi32, #tpu.memory_space<smem>>
    %c0_i32 = arith.constant 0 : i32
    %c0_i32_1 = arith.constant 0 : i32
    %c0_i32_2 = arith.constant 0 : i32
    return %get3A_0, %c0_i32, %c0_i32_1 : i32, i32, i32
  }
  func.func @transform_5(%arg0: i32, %arg1: memref<40xi32, #tpu.memory_space<smem>>, %arg2: memref<1xi32, #tpu.memory_space<smem>>) -> (i32, i32, i32, i32) {
    %get3A = arith.index_cast %arg0 : i32 to index
    %get3A_0 = memref.load %arg1[%get3A] : memref<40xi32, #tpu.memory_space<smem>>
    %c0_i32 = arith.constant 0 : i32
    %c0_i32_1 = arith.constant 0 : i32
    %c0_i32_2 = arith.constant 0 : i32
    %c0_i32_3 = arith.constant 0 : i32
    return %get3A_0, %c0_i32, %c0_i32_1, %c0_i32_2 : i32, i32, i32, i32
  }
  func.func @transform_6(%arg0: i32, %arg1: memref<40xi32, #tpu.memory_space<smem>>, %arg2: memref<1xi32, #tpu.memory_space<smem>>) -> (i32, i32, i32) {
    %get3A = arith.index_cast %arg0 : i32 to index
    %get3A_0 = memref.load %arg1[%get3A] : memref<40xi32, #tpu.memory_space<smem>>
    %c0_i32 = arith.constant 0 : i32
    %c0_i32_1 = arith.constant 0 : i32
    %c0_i32_2 = arith.constant 0 : i32
    return %get3A_0, %c0_i32, %c0_i32_1 : i32, i32, i32
  }
  func.func @transform_7(%arg0: i32, %arg1: memref<40xi32, #tpu.memory_space<smem>>, %arg2: memref<1xi32, #tpu.memory_space<smem>>) -> (i32, i32, i32) {
    %get3A = arith.index_cast %arg0 : i32 to index
    %get3A_0 = memref.load %arg1[%get3A] : memref<40xi32, #tpu.memory_space<smem>>
    %c0_i32 = arith.constant 0 : i32
    %c0_i32_1 = arith.constant 0 : i32
    %c0_i32_2 = arith.constant 0 : i32
    return %get3A_0, %c0_i32, %c0_i32_1 : i32, i32, i32
  }
  func.func @transform_8(%arg0: i32, %arg1: memref<40xi32, #tpu.memory_space<smem>>, %arg2: memref<1xi32, #tpu.memory_space<smem>>) -> (i32, i32, i32) {
    %get3A = arith.index_cast %arg0 : i32 to index
    %get3A_0 = memref.load %arg1[%get3A] : memref<40xi32, #tpu.memory_space<smem>>
    %c0_i32 = arith.constant 0 : i32
    %c0_i32_1 = arith.constant 0 : i32
    %c0_i32_2 = arith.constant 0 : i32
    return %get3A_0, %c0_i32, %c0_i32_1 : i32, i32, i32
  }
  func.func @transform_9(%arg0: i32, %arg1: memref<40xi32, #tpu.memory_space<smem>>, %arg2: memref<1xi32, #tpu.memory_space<smem>>) -> (i32, i32, i32) {
    %get3A = arith.index_cast %arg0 : i32 to index
    %get3A_0 = memref.load %arg1[%get3A] : memref<40xi32, #tpu.memory_space<smem>>
    %c0_i32 = arith.constant 0 : i32
    %c0_i32_1 = arith.constant 0 : i32
    %c0_i32_2 = arith.constant 0 : i32
    return %get3A_0, %c0_i32, %c0_i32_1 : i32, i32, i32
  }
  func.func @transform_10(%arg0: i32, %arg1: memref<40xi32, #tpu.memory_space<smem>>, %arg2: memref<1xi32, #tpu.memory_space<smem>>) -> (i32, i32) {
    %c0_i32 = arith.constant 0 : i32
    %c0_i32_0 = arith.constant 0 : i32
    return %arg0, %c0_i32 : i32, i32
  }
}

</mosaic_0001>

<sc_bundles>
// kernel: kernel.5.cloned.1.call-start
scs
__scs_entry_jumppad:
0x0: {  	(pc) =	sbr.rel $0x88, $3  }
0x1: {  	(tag) =	ssettag $0x0;
	lr =	simm.s32 $0x1  }
0x2: {  	[smem:$0x3F97] =	sst lr;
	_ =	strace $0xD0000000  }
0x3: {  	_ = 	snop  }
0x4: {  	_ = 	snop  }
0x5: {  	_ = 	snop  }
0x6: {  	_ = 	snop  }
0x7: {  	_ = 	snop  }
__scs_overlays_trampoline_lowered:
0x8: {  	[smem:$0x3FA6] =	sst s0  }
0x9: {  	[smem:$0x3FA7] =	sst s1  }
0xa: {  	[smem:$0x3FA8] =	sst s2  }
0xb: {  	[smem:$0x3FA9] =	sst s3  }
0xc: {  	[smem:$0x3FAA] =	sst s4  }
0xd: {  	[smem:$0x3FAB] =	sst s5  }
0xe: {  	[smem:$0x3FAC] =	sst s6  }
0xf: {  	[smem:$0x3FAD] =	sst s7  }
0x10: {  	[smem:$0x3FAE] =	sst s8  }
0x11: {  	[smem:$0x3FAF] =	sst s9;
	s0 =	simm.s32 @!p0 $0x0  }
0x12: {  	s1 =	sld [smem:$0x3F95];
	s0 =	simm.s32 @p0 $0x1  }
0x13: {  	[smem:$0x3FB0] =	sst s0;
	s0 =	simm.s32 @!p1 $0x0  }
0x14: {  	s2 =	sld [smem:$0x3F94];
	s0 =	simm.s32 @p1 $0x1  }
0x15: {  	[smem:$0x3FB1] =	sst s0;
	s0 =	simm.s32 @!p2 $0x0  }
0x16: {  	s3 =	sld [smem:$0x3FDB];
	s0 =	simm.s32 @p2 $0x1  }
0x17: {  	s4 =	simm.s32 $0x1BF5;
	[smem:$0x3FB3] =	sst s0  }
0x18: {  	s0 =	sld [smem:$0x3F96];
	_ =	swait.ge [sflag:s4], $0x0  }
0x19: {  	s7 =	sld [smem:$0x3F97]  }
0x1a: {  	s8 =	sadd.s32 $0xFFFFE003, lr  }
0x1b: {  	s9 =	sadd.s32 $0xFFFFFEF7, lr;
	s5 =	simm.s32 $0xFFFFFFFF;
	p2 =	slt.u32 s8, $0xFFFFF086  }
0x1c: {  	p1 =	slt.u32 s9, $0xF7A;
	s5 =	simm.s32 @!p2 $0x0  }
0x1d: {  	s5 =	simm.s32 @p1 $0x1;
	p0 =	seq.s32 s7, s2  }
0x1e: {  	s7 =	smul.u32 @!p0 $0xF7A, s2;
	p2 =	seq.s32 @!p0 s5, $0x0  }
0x1f: {  	s9 =	smul.u32 $0xF7A, s1;
	s8 =	simm.s32 @!p0 $0x1BF5;
	p2 =	por !p2, p0  }
0x20: {  	[sflag:s8] =	ssyncset.s32 @!p0 $0xFFFFF086;
	s6 =	sadd.s32 @!p0 s3, s7;
	s7 =	simm.s32 @!p0 $0x108  }
0x21: {  	s3 =	sadd.s32 s3, s9;
	s6 =	sadd.s32 @!p0 $0x88, s6;
	s7 =	simm.s32 @p2 $0x1082  }
0x22: {  	[simem:s7], [sflag:s8] =	dma.local @!p0 [hbm:s6], $0xF7A  }
0x23: {  	s9 =	sor.u32 $0xD0000000, s2;
	s6 =	simm.s32 $0x108;
	_ =	swait.ge @!p0 [sflag:s8], $0x0  }
0x24: {  	s3 =	sadd.s32 $0x88, s3;
	s6 =	simm.s32 @!p1 $0x1082;
	[sflag:s4] =	ssyncset.s32 $0xFFFFF086  }
0x25: {  	[simem:s6], [sflag:s4] =	dma.local [hbm:s3], $0xF7A  }
0x26: {  	[smem:$0x3F97] =	sst s1;
	(tag) =	ssettag s2;
	_ =	strace s9  }
0x27: {  	s1 =	sld [smem:$0x3FA7]  }
0x28: {  	s2 =	sld [smem:$0x3FA8]  }
0x29: {  	s4 =	sld [smem:$0x3FAA]  }
0x2a: {  	p0 =	seq.s32 s5, $0x0;
	s5 =	sld [smem:$0x3FAB]  }
0x2b: {  	s6 =	sld [smem:$0x3FAC]  }
0x2c: {  	s7 =	sld [smem:$0x3FAD]  }
0x2d: {  	s3 =	simm.s32 $0x108;
	s8 =	sld [smem:$0x3FAE]  }
0x2e: {  	s3 =	simm.s32 @!p0 $0x1082;
	s9 =	sld [smem:$0x3FAF]  }
0x2f: {  	lr =	sadd.s32 s0, s3;
	s0 =	sld [smem:$0x3FA6]  }
0x30: {  	s3 =	sld [smem:$0x3FA9]  }
0x31: {  	[smem:$0x3FB2] =	sst s10  }
0x32: {  	s10 =	sld [smem:$0x3FB0];
	_ =	sdelay $0x3  }
0x33: {  	p0 =	seq.s32 s10, $0x1;
	s10 =	sld [smem:$0x3FB2];
	_ =	sdelay $0x3  }
0x34: {  	[smem:$0x3FB2] =	sst s10  }
0x35: {  	s10 =	sld [smem:$0x3FB1];
	_ =	sdelay $0x3  }
0x36: {  	p1 =	seq.s32 s10, $0x1;
	s10 =	sld [smem:$0x3FB2];
	_ =	sdelay $0x3  }
0x37: {  	[smem:$0x3FB2] =	sst s10  }
0x38: {  	s10 =	sld [smem:$0x3FB3]  }
0x39: {  	_ = 	snop;
	(pc) =	sbr.ind lr, $3  }
0x3a: {  	_ = 	snop  }
0x3b: {  	_ = 	snop  }
0x3c: {  	p2 =	seq.s32 s10, $0x1;
	s10 =	sld [smem:$0x3FB2]  }
0x3d: {  	_ =	shalt  }
0x3e: {  	_ =	shalt  }
0x3f: {  	_ =	shalt  }
0x40: {  	_ =	shalt  }
0x41: {  	_ =	shalt  }
0x42: {  	_ =	shalt  }
0x43: {  	_ =	shalt  }
0x44: {  	_ =	shalt  }
0x45: {  	_ =	shalt  }
0x46: {  	_ =	shalt  }
0x47: {  	_ =	shalt  }
0x48: {  	_ =	shalt  }
0x49: {  	_ =	shalt  }
0x4a: {  	_ =	shalt  }
0x4b: {  	_ =	shalt  }
0x4c: {  	_ =	shalt  }
0x4d: {  	_ =	shalt  }
0x4e: {  	_ =	shalt  }
0x4f: {  	_ =	shalt  }
0x50: {  	_ =	shalt  }
0x51: {  	_ =	shalt  }
0x52: {  	_ =	shalt  }
0x53: {  	_ =	shalt  }
0x54: {  	_ =	shalt  }
0x55: {  	_ =	shalt  }
0x56: {  	_ =	shalt  }
0x57: {  	_ =	shalt  }
0x58: {  	_ =	shalt  }
0x59: {  	_ =	shalt  }
0x5a: {  	_ =	shalt  }
0x5b: {  	_ =	shalt  }
0x5c: {  	_ =	shalt  }
0x5d: {  	_ =	shalt  }
0x5e: {  	_ =	shalt  }
0x5f: {  	_ =	shalt  }
0x60: {  	_ =	shalt  }
0x61: {  	_ =	shalt  }
0x62: {  	_ =	shalt  }
0x63: {  	_ =	shalt  }
0x64: {  	_ =	shalt  }
0x65: {  	_ =	shalt  }
0x66: {  	_ =	shalt  }
0x67: {  	_ =	shalt  }
0x68: {  	_ =	shalt  }
0x69: {  	_ =	shalt  }
0x6a: {  	_ =	shalt  }
0x6b: {  	_ =	shalt  }
0x6c: {  	_ =	shalt  }
0x6d: {  	_ =	shalt  }
0x6e: {  	_ =	shalt  }
0x6f: {  	_ =	shalt  }
0x70: {  	_ =	shalt  }
0x71: {  	_ =	shalt  }
0x72: {  	_ =	shalt  }
0x73: {  	_ =	shalt  }
0x74: {  	_ =	shalt  }
0x75: {  	_ =	shalt  }
0x76: {  	_ =	shalt  }
0x77: {  	_ =	shalt  }
0x78: {  	_ =	shalt  }
0x79: {  	_ =	shalt  }
0x7a: {  	_ =	shalt  }
0x7b: {  	_ =	shalt  }
0x7c: {  	_ =	shalt  }
0x7d: {  	_ =	shalt  }
0x7e: {  	_ =	shalt  }
0x7f: {  	_ =	shalt  }
0x80: {  	_ =	shalt  }
0x81: {  	_ =	shalt  }
0x82: {  	_ =	shalt  }
0x83: {  	_ =	shalt  }
0x84: {  	_ =	shalt  }
0x85: {  	_ =	shalt  }
0x86: {  	_ =	shalt  }
0x87: {  	_ =	shalt  }
.Lfunc_end0:
.L_simem_size_0:
called_computation_lowered:
.L_overlay_start_0:
0x88: {  	s2 =	sld [smem:$0x3FD9]  }
0x89: {  	s3 =	sld [smem:$0x3FFE];
	_ =	sdelay $0x1  }
0x8a: {  	s1 =	srdreg.scid  }
0x8b: {  	s0 =	sand.u32 $0x1, s1  }
0x8c: {  	s17 =	sshll.u32 s0, $0xA;
	s2 =	sadd.s32 s3, s2  }
0x8d: {  	s2 =	sadd.s32 s2, s17  }
0x8e: {  	[smem:$0x3FBE] =	sst s2  }
0x8f: {  	_ = 	snop  }
0x90: {  	s2 =	sld [smem:$0x3FD0];
	(tm) =	ssettm $0x1  }
0x91: {  	s18 =	sld [smem:$0x3FFB];
	_ =	sdelay $0x3  }
0x92: {  	_ =	strace s18  }
0x93: {  	s3 =	sld [smem:$0x3FFC];
	_ =	sdelay $0x3  }
0x94: {  	_ =	strace s3  }
0x95: {  	s3 =	sld [smem:$0x3FFD];
	_ =	sdelay $0x3  }
0x96: {  	_ =	strace s3  }
0x97: {  	_ =	strace $0x8FFFFFFF  }
0x98: {  	s19 =	sld [smem:$0x3FDB];
	_ =	sdelay $0x1  }
0x99: {  	s4 =	simm.s32 $_scs_section_size  }
0x9a: {  	s5 =	simm.s32 $_size__tile_overlayer_lowered;
	s6 =	simm.s32 $_tile_overlayer_lowered  }
0x9b: {  	s22 =	simm.s32 $0x1BFF;
	s21 =	sshll.u32 s6, $0x1;
	s3 =	sadd.s32 s4, s19  }
0x9c: {  	s7 =	simm.s32 $0x0;
	s20 =	sshll.u32 s5, $0x1;
	s5 =	sadd.s32 s21, s3  }
0x9d: {  	[timem:s7], [sflag:s22] =	dma.local [hbm:s5], s20  }
0x9e: {  	_ =	swait.ge [sflag:s22], s20  }
0x9f: {  	s4 =	ssub.s32 $0x0, s20;
	[sflag:s22] =	ssyncset.done $0x0  }
0xa0: {  	[sflag:s22] =	ssyncadd.s32 s4;
	_ =	sdelay $0x1  }
0xa1: {  	s23 =	simm.s32 $0x1B8B  }
0xa2: {  	_ =	swait.ge [sflag:s23], $0x1  }
0xa3: {  	[sflag:s23] =	ssyncset.done $0x0  }
0xa4: {  	s25 =	simm.s32 $0x1B8E;
	s24 =	sld [smem:$0x3FFE];
	[sflag:s23] =	ssyncadd.s32 $0xFFFFFFFF  }
0xa5: {  	s26 =	simm.s32 $execute0_lowered;
	[smem:$0x3FD2] =	sst s25  }
0xa6: {  	s5 =	sshll.u32 s26, $0x1;
	_ =	strace $0x80000046;
	[dreg:$0x1] =	wrdreg $0xFFFFFFFF  }
0xa7: {  	s28 =	simm.s32 $_size_execute0_lowered;
	s3 =	sadd.s32 s3, s5;
	[dreg:$0x0] =	wrdreg $0x0  }
0xa8: {  	s5 =	sshll.u32 s28, $0x1;
	[dreg:$0x2] =	wrdreg s3  }
0xa9: {  	[dreg:$0x3] =	wrdreg s5  }
0xaa: {  	[dreg:$0x4] =	wrdreg $0xC0  }
0xab: {  	_ =	task [dreg:s7], $0x5FFFF  }
0xac: {  	[dreg:$0x1] =	wrdreg $0xFFFFFFFF  }
0xad: {  	[dreg:$0x0] =	wrdreg $0x60  }
0xae: {  	[dreg:$0x2] =	wrdreg s24  }
0xaf: {  	[dreg:$0x3] =	wrdreg s2  }
0xb0: {  	[dreg:$0x4] =	wrdreg $0x9  }
0xb1: {  	_ =	task.clear_ibuf [dreg:s7], $0x5FFFF;
	_ =	strace $0x90000046  }
0xb2: {  	s29 =	simm.s32 $0x9;
	_ =	strace $0x80000048  }
0xb3: {  	_ =	swait.ge [sflag:s29], $0x1  }
0xb4: {  	[sflag:s29] =	ssyncadd.s32 $0xFFFFFFFF  }
0xb5: {  	_ =	strace $0x90000048  }
0xb6: {  	_ =	sfence  }
0xb7: {  	s30 =	sld [smem:$0x0];
	_ =	sdelay $0x2  }
0xb8: {  	s31 =	sshll.u32 s1, $0xD;
	s1 =	sshrl.u32 s1, $0x2  }
0xb9: {  	s3 =	sand.u32 $0x4000, s31;
	s1 =	sadd.s32 s1, s30  }
0xba: {  	s0 =	sor.u32 s3, s0;
	s1 =	sshll.u32 s1, $0x11  }
0xbb: {  	s0 =	sor.u32 s1, s0  }
0xbc: {  	s0 =	sadd.s32 $0x8F2B, s0  }
0xbd: {  	[sflag:s0] =	ssyncadd.remote.s32 $0x1  }
0xbe: {  	_ =	sfence.sel $0xFFFF  }
0xbf: {  	[dreg:$0x0] =	wrdreg $0xFFFFFFFF;
	(pc) =	sbr.abs _section_cstart, $3  }
0xc0: {  	[dreg:$0x1] =	wrdreg $0xFFFFFFFF  }
0xc1: {  	_ =	task.clear_ibuf [dreg:s7], $0x2FFFF;
	_ =	strace $0x9FFFFFFF  }
0xc2: {  	(tm) =	ssettm $0x7FFFFFFF  }
0xc3: {  	_ =	shalt  }
tec
execute0_lowered:
.L_overlay_start_1:
0x0: {  	(tag) =	ssettag $0x1  }
0x1: {  	s1 =	rddreg [dreg:$0x0]  }
0x2: {  	s4 =	rddreg [dreg:$0x1];
	s2 =	srdreg.scid  }
0x3: {  	s0 =	rddreg [dreg:$0x2];
	s20 =	sand.u32 $0x1, s2  }
0x4: {  	s3 =	simm.s32 $0x0;
	s2 =	stileid.u32;
	s5 =	sshll.u32 s20, $0x6  }
0x5: {  	[smem:$0x7FF] =	sst s3;
	s6 =	sshll.u32 s2, $0x7;
	s4 =	sadd.s32 s4, s5  }
0x6: {  	_ =	strace $0x80000047;
	s5 =	simm.s32 $0x1;
	s4 =	sadd.s32 s6, s4  }
0x7: {  	[tilespmem:s3], [sflag:$0x1] =	stream.linear.gather [hbm4b:s4+s3], $0x200, $0x38;
	[tilespmem:$0xA200] =	vst v63  }
0x8: {  	_ =	swait.ge [sflag:s5], $0x200  }
0x9: {  	[sflag:s5] =	ssyncset.done $0x0  }
0xa: {  	s7 =	simm.s32 $0x200;
	s6 =	simm.s32 $0x50;
	[sflag:s5] =	ssyncadd.s32 $0xFFFFFE00  }
0xb: {  	[tilespmem:s7], [sflag:$0x2] =	stream.indirect.gather [hbm4b:s1+s6], $0x80, s3, s6, $0xb8;
	[tilespmem:$0xA200] =	vst v63  }
0xc: {  	s8 =	simm.s32 $0x80;
	s9 =	simm.s32 $0x2A00;
	s10 =	sshll.u32 s2, $0x1  }
0xd: {  	[tilespmem:s9], [sflag:$0x2] =	stream.indirect.gather [hbm4b:s1+s6], $0x80, s8, s6, $0xb8;
	[tilespmem:$0xA200] =	vst v63  }
0xe: {  	s11 =	simm.s32 $0x5200;
	s16 =	sor.u32 s20, s10;
	s10 =	simm.s32 $0x100  }
0xf: {  	[tilespmem:s11], [sflag:$0x2] =	stream.indirect.gather [hbm4b:s1+s6], $0x80, s10, s6, $0xb8;
	[tilespmem:$0xA200] =	vst v63  }
0x10: {  	s12 =	simm.s32 $0x180;
	s13 =	simm.s32 $0x7A00;
	s14 =	simm.s32 $0x2  }
0x11: {  	[tilespmem:s13], [sflag:$0x2] =	stream.indirect.gather [hbm4b:s1+s6], $0x80, s12, s6, $0xb8;
	[tilespmem:$0xA200] =	vst v63  }
0x12: {  	s15 =	smul.u32 $0x1400, s16;
	_ =	swait.ge [sflag:s14], $0x2800  }
0x13: {  	s17 =	sadd.s32 $0x20000, s1;
	[sflag:s14] =	ssyncset.done $0x0  }
0x14: {  	s16 =	smul.u32 $0xA000, s16;
	s15 =	sadd.s32 s17, s15;
	[sflag:s14] =	ssyncadd.s32 $0xFFFFD800  }
0x15: {  	[hbm4b:s15+s3] =	stream.linear.scatter [tilespmem:s7], [sflag:$0x3], $0x2800, $0x38;
	[tilespmem:$0xA200] =	vst v63  }
0x16: {  	s16 =	sshrl.u32 s16, $0x3;
	_ =	swait.ge [sflag:s14], $0x2800  }
0x17: {  	s18 =	sadd.s32 s17, s16;
	[sflag:s14] =	ssyncset.done $0x0  }
0x18: {  	s16 =	sadd.s32 $0x500, s18;
	[sflag:s14] =	ssyncadd.s32 $0xFFFFD800  }
0x19: {  	[hbm4b:s16+s3] =	stream.linear.scatter [tilespmem:s9], [sflag:$0x3], $0x2800, $0x38;
	[tilespmem:$0xA200] =	vst v63  }
0x1a: {  	_ =	swait.ge [sflag:s14], $0x2800  }
0x1b: {  	[sflag:s14] =	ssyncset.done $0x0  }
0x1c: {  	s17 =	sadd.s32 $0xA00, s18;
	[sflag:s14] =	ssyncadd.s32 $0xFFFFD800  }
0x1d: {  	[hbm4b:s17+s3] =	stream.linear.scatter [tilespmem:s11], [sflag:$0x3], $0x2800, $0x38;
	[tilespmem:$0xA200] =	vst v63  }
0x1e: {  	_ =	swait.ge [sflag:s14], $0x2800  }
0x1f: {  	[sflag:s14] =	ssyncset.done $0x0  }
0x20: {  	s19 =	sadd.s32 $0xF00, s18;
	s18 =	simm.s32 $0x3;
	[sflag:s14] =	ssyncadd.s32 $0xFFFFD800  }
0x21: {  	[hbm4b:s19+s3] =	stream.linear.scatter [tilespmem:s13], [sflag:$0x3], $0x2800, $0x38;
	[tilespmem:$0xA200] =	vst v63  }
0x22: {  	_ =	swait.ge [sflag:s18], $0x2800  }
0x23: {  	s20 =	ssub.s32 $0x2, s20;
	[sflag:s18] =	ssyncset.done $0x0  }
0x24: {  	s21 =	sshrl.u32 s20, $0x1;
	[sflag:s18] =	ssyncadd.s32 $0xFFFFD800  }
0x25: {  	s20 =	ssub.s32 s20, s21;
	_ =	swait.ge [sflag:s18], $0x2800  }
0x26: {  	s20 =	smax.u32 s20, $0x1;
	[sflag:s18] =	ssyncset.done $0x0  }
0x27: {  	p0 =	sne.s32 s20, $0x1;
	[sflag:s18] =	ssyncadd.s32 $0xFFFFD800  }
.Ltmp0:
0x28: {  	_ =	swait.ge [sflag:s18], $0x2800;
	(pc) =	sbr.rel @!p0 .LBB2_2-.Ltmp0, $4  }
0x29: {  	[sflag:s18] =	ssyncset.done $0x0  }
0x2a: {  	[sflag:s18] =	ssyncadd.s32 $0xFFFFD800  }
0x2b: {  	_ =	swait.ge [sflag:s18], $0x2800  }
0x2c: {  	s20 =	sadd.s32 $0xFFFFFFFF, s20;
	[sflag:s18] =	ssyncset.done $0x0  }
.LBB2_1:
0x2d: {  	p0 =	sne.s32 s20, $0x1;
	s20 =	sadd.s32 $0xFFFFFFFF, s20;
	[sflag:s18] =	ssyncadd.s32 $0xFFFFD800  }
0x2e: {  	[tilespmem:s3], [sflag:$0x1] =	stream.linear.gather [hbm4b:s4+s3], $0x200, $0x38;
	[tilespmem:$0xA200] =	vst v63  }
0x2f: {  	_ =	swait.ge [sflag:s5], $0x200  }
0x30: {  	[sflag:s5] =	ssyncset.done $0x0  }
0x31: {  	[sflag:s5] =	ssyncadd.s32 $0xFFFFFE00  }
0x32: {  	[tilespmem:s7], [sflag:$0x2] =	stream.indirect.gather [hbm4b:s1+s6], $0x80, s3, s6, $0xb8;
	[tilespmem:$0xA200] =	vst v63  }
0x33: {  	_ = 	snop  }
0x34: {  	[tilespmem:s9], [sflag:$0x2] =	stream.indirect.gather [hbm4b:s1+s6], $0x80, s8, s6, $0xb8;
	[tilespmem:$0xA200] =	vst v63  }
0x35: {  	_ = 	snop  }
0x36: {  	[tilespmem:s11], [sflag:$0x2] =	stream.indirect.gather [hbm4b:s1+s6], $0x80, s10, s6, $0xb8;
	[tilespmem:$0xA200] =	vst v63  }
0x37: {  	_ = 	snop  }
0x38: {  	[tilespmem:s13], [sflag:$0x2] =	stream.indirect.gather [hbm4b:s1+s6], $0x80, s12, s6, $0xb8;
	[tilespmem:$0xA200] =	vst v63  }
0x39: {  	_ =	swait.ge [sflag:s14], $0x2800  }
0x3a: {  	[sflag:s14] =	ssyncset.done $0x0  }
0x3b: {  	[sflag:s14] =	ssyncadd.s32 $0xFFFFD800  }
0x3c: {  	[hbm4b:s15+s3] =	stream.linear.scatter [tilespmem:s7], [sflag:$0x3], $0x2800, $0x38;
	[tilespmem:$0xA200] =	vst v63  }
0x3d: {  	_ =	swait.ge [sflag:s14], $0x2800  }
0x3e: {  	[sflag:s14] =	ssyncset.done $0x0  }
0x3f: {  	[sflag:s14] =	ssyncadd.s32 $0xFFFFD800  }
0x40: {  	[hbm4b:s16+s3] =	stream.linear.scatter [tilespmem:s9], [sflag:$0x3], $0x2800, $0x38;
	[tilespmem:$0xA200] =	vst v63  }
0x41: {  	_ =	swait.ge [sflag:s14], $0x2800  }
0x42: {  	[sflag:s14] =	ssyncset.done $0x0  }
0x43: {  	[sflag:s14] =	ssyncadd.s32 $0xFFFFD800  }
0x44: {  	[hbm4b:s17+s3] =	stream.linear.scatter [tilespmem:s11], [sflag:$0x3], $0x2800, $0x38;
	[tilespmem:$0xA200] =	vst v63  }
0x45: {  	_ =	swait.ge [sflag:s14], $0x2800  }
0x46: {  	[sflag:s14] =	ssyncset.done $0x0  }
0x47: {  	[sflag:s14] =	ssyncadd.s32 $0xFFFFD800  }
0x48: {  	[hbm4b:s19+s3] =	stream.linear.scatter [tilespmem:s13], [sflag:$0x3], $0x2800, $0x38;
	[tilespmem:$0xA200] =	vst v63  }
0x49: {  	_ =	swait.ge [sflag:s18], $0x2800  }
0x4a: {  	[sflag:s18] =	ssyncset.done $0x0  }
0x4b: {  	[sflag:s18] =	ssyncadd.s32 $0xFFFFD800  }
0x4c: {  	_ =	swait.ge [sflag:s18], $0x2800  }
0x4d: {  	[sflag:s18] =	ssyncset.done $0x0  }
0x4e: {  	[sflag:s18] =	ssyncadd.s32 $0xFFFFD800  }
.Ltmp1:
0x4f: {  	_ =	swait.ge [sflag:s18], $0x2800;
	(pc) =	sbr.rel @p0 .LBB2_1-.Ltmp1, $4  }
0x50: {  	[sflag:s18] =	ssyncset.done $0x0  }
0x51: {  	[sflag:s18] =	ssyncadd.s32 $0xFFFFD800  }
0x52: {  	_ =	swait.ge [sflag:s18], $0x2800  }
0x53: {  	[sflag:s18] =	ssyncset.done $0x0  }
.LBB2_2:
0x54: {  	[sflag:s18] =	ssyncadd.s32 $0xFFFFD800  }
0x55: {  	_ =	sfence.sel $0x180000  }
0x56: {  	[bflag:$0x0] =	sbarrier.arrive $0xFFFF  }
0x57: {  	p0 =	sne.s32 s2, $0x0;
	_ =	strace $0x90000047  }
0x58: {  	s0 =	sadd.s32 @!p0 $0x100000, s0;
	[bflag:$0x2] =	sbarrier.arrive $0xFFFF  }
0x59: {  	[sflag:s0] =	ssyncadd.tile.s32 @!p0 $0x1;
	_ =	shalt  }
.Lfunc_end2:
_tile_overlayer_lowered:
.L_overlay_start_2:
0x5a: {  	(tag) =	ssettag $0x2  }
0x5b: {  	s0 =	rddreg [dreg:$0x0];
	s2 =	stileid.u32  }
0x5c: {  	s1 =	rddreg [dreg:$0x1];
	p0 =	sne.s32 s2, $0x0  }
0x5d: {  	s3 =	rddreg [dreg:$0x2];
	[bflag:$0x3] =	sbarrier.arrive $0xFFFF;
	s2 =	simm.s32 @!p0 $0x1C04  }
0x5e: {  	[timem:s3], [sflag:s2] =	dma.local @!p0 [hbm:s0], s1  }
0x5f: {  	s0 =	simm.s32 @!p0 $0x4  }
0x60: {  	_ =	swait.ge @!p0 [sflag:s0], s1  }
0x61: {  	s1 =	ssub.s32 @!p0 $0x0, s1;
	[sflag:s0] =	ssyncset.done @!p0 $0x0  }
0x62: {  	[sflag:s0] =	ssyncadd.s32 @!p0 s1  }
0x63: {  	[bflag:$0x3] =	sbarrier.arrive $0xFFFF  }
0x64: {  	_ =	shalt  }

// kernel: kernel.8.cloned.1.call-start
scs
__scs_entry_jumppad:
0x0: {  	(pc) =	sbr.rel $0x88, $3  }
0x1: {  	(tag) =	ssettag $0x0;
	lr =	simm.s32 $0x1  }
0x2: {  	[smem:$0x3F97] =	sst lr;
	_ =	strace $0xD0000000  }
0x3: {  	_ = 	snop  }
0x4: {  	_ = 	snop  }
0x5: {  	_ = 	snop  }
0x6: {  	_ = 	snop  }
0x7: {  	_ = 	snop  }
__scs_overlays_trampoline_lowered:
0x8: {  	[smem:$0x3FA6] =	sst s0  }
0x9: {  	[smem:$0x3FA7] =	sst s1  }
0xa: {  	[smem:$0x3FA8] =	sst s2  }
0xb: {  	[smem:$0x3FA9] =	sst s3  }
0xc: {  	[smem:$0x3FAA] =	sst s4  }
0xd: {  	[smem:$0x3FAB] =	sst s5  }
0xe: {  	[smem:$0x3FAC] =	sst s6  }
0xf: {  	[smem:$0x3FAD] =	sst s7  }
0x10: {  	[smem:$0x3FAE] =	sst s8  }
0x11: {  	[smem:$0x3FAF] =	sst s9;
	s0 =	simm.s32 @!p0 $0x0  }
0x12: {  	s1 =	sld [smem:$0x3F95];
	s0 =	simm.s32 @p0 $0x1  }
0x13: {  	[smem:$0x3FB0] =	sst s0;
	s0 =	simm.s32 @!p1 $0x0  }
0x14: {  	s2 =	sld [smem:$0x3F94];
	s0 =	simm.s32 @p1 $0x1  }
0x15: {  	[smem:$0x3FB1] =	sst s0;
	s0 =	simm.s32 @!p2 $0x0  }
0x16: {  	s3 =	sld [smem:$0x3FDB];
	s0 =	simm.s32 @p2 $0x1  }
0x17: {  	s4 =	simm.s32 $0x1BF5;
	[smem:$0x3FB3] =	sst s0  }
0x18: {  	s0 =	sld [smem:$0x3F96];
	_ =	swait.ge [sflag:s4], $0x0  }
0x19: {  	s7 =	sld [smem:$0x3F97]  }
0x1a: {  	s8 =	sadd.s32 $0xFFFFE003, lr  }
0x1b: {  	s9 =	sadd.s32 $0xFFFFFEF7, lr;
	s5 =	simm.s32 $0xFFFFFFFF;
	p2 =	slt.u32 s8, $0xFFFFF086  }
0x1c: {  	p1 =	slt.u32 s9, $0xF7A;
	s5 =	simm.s32 @!p2 $0x0  }
0x1d: {  	s5 =	simm.s32 @p1 $0x1;
	p0 =	seq.s32 s7, s2  }
0x1e: {  	s7 =	smul.u32 @!p0 $0xF7A, s2;
	p2 =	seq.s32 @!p0 s5, $0x0  }
0x1f: {  	s9 =	smul.u32 $0xF7A, s1;
	s8 =	simm.s32 @!p0 $0x1BF5;
	p2 =	por !p2, p0  }
0x20: {  	[sflag:s8] =	ssyncset.s32 @!p0 $0xFFFFF086;
	s6 =	sadd.s32 @!p0 s3, s7;
	s7 =	simm.s32 @!p0 $0x108  }
0x21: {  	s3 =	sadd.s32 s3, s9;
	s6 =	sadd.s32 @!p0 $0x88, s6;
	s7 =	simm.s32 @p2 $0x1082  }
0x22: {  	[simem:s7], [sflag:s8] =	dma.local @!p0 [hbm:s6], $0xF7A  }
0x23: {  	s9 =	sor.u32 $0xD0000000, s2;
	s6 =	simm.s32 $0x108;
	_ =	swait.ge @!p0 [sflag:s8], $0x0  }
0x24: {  	s3 =	sadd.s32 $0x88, s3;
	s6 =	simm.s32 @!p1 $0x1082;
	[sflag:s4] =	ssyncset.s32 $0xFFFFF086  }
0x25: {  	[simem:s6], [sflag:s4] =	dma.local [hbm:s3], $0xF7A  }
0x26: {  	[smem:$0x3F97] =	sst s1;
	(tag) =	ssettag s2;
	_ =	strace s9  }
0x27: {  	s1 =	sld [smem:$0x3FA7]  }
0x28: {  	s2 =	sld [smem:$0x3FA8]  }
0x29: {  	s4 =	sld [smem:$0x3FAA]  }
0x2a: {  	p0 =	seq.s32 s5, $0x0;
	s5 =	sld [smem:$0x3FAB]  }
0x2b: {  	s6 =	sld [smem:$0x3FAC]  }
0x2c: {  	s7 =	sld [smem:$0x3FAD]  }
0x2d: {  	s3 =	simm.s32 $0x108;
	s8 =	sld [smem:$0x3FAE]  }
0x2e: {  	s3 =	simm.s32 @!p0 $0x1082;
	s9 =	sld [smem:$0x3FAF]  }
0x2f: {  	lr =	sadd.s32 s0, s3;
	s0 =	sld [smem:$0x3FA6]  }
0x30: {  	s3 =	sld [smem:$0x3FA9]  }
0x31: {  	[smem:$0x3FB2] =	sst s10  }
0x32: {  	s10 =	sld [smem:$0x3FB0];
	_ =	sdelay $0x3  }
0x33: {  	p0 =	seq.s32 s10, $0x1;
	s10 =	sld [smem:$0x3FB2];
	_ =	sdelay $0x3  }
0x34: {  	[smem:$0x3FB2] =	sst s10  }
0x35: {  	s10 =	sld [smem:$0x3FB1];
	_ =	sdelay $0x3  }
0x36: {  	p1 =	seq.s32 s10, $0x1;
	s10 =	sld [smem:$0x3FB2];
	_ =	sdelay $0x3  }
0x37: {  	[smem:$0x3FB2] =	sst s10  }
0x38: {  	s10 =	sld [smem:$0x3FB3]  }
0x39: {  	_ = 	snop;
	(pc) =	sbr.ind lr, $3  }
0x3a: {  	_ = 	snop  }
0x3b: {  	_ = 	snop  }
0x3c: {  	p2 =	seq.s32 s10, $0x1;
	s10 =	sld [smem:$0x3FB2]  }
0x3d: {  	_ =	shalt  }
0x3e: {  	_ =	shalt  }
0x3f: {  	_ =	shalt  }
0x40: {  	_ =	shalt  }
0x41: {  	_ =	shalt  }
0x42: {  	_ =	shalt  }
0x43: {  	_ =	shalt  }
0x44: {  	_ =	shalt  }
0x45: {  	_ =	shalt  }
0x46: {  	_ =	shalt  }
0x47: {  	_ =	shalt  }
0x48: {  	_ =	shalt  }
0x49: {  	_ =	shalt  }
0x4a: {  	_ =	shalt  }
0x4b: {  	_ =	shalt  }
0x4c: {  	_ =	shalt  }
0x4d: {  	_ =	shalt  }
0x4e: {  	_ =	shalt  }
0x4f: {  	_ =	shalt  }
0x50: {  	_ =	shalt  }
0x51: {  	_ =	shalt  }
0x52: {  	_ =	shalt  }
0x53: {  	_ =	shalt  }
0x54: {  	_ =	shalt  }
0x55: {  	_ =	shalt  }
0x56: {  	_ =	shalt  }
0x57: {  	_ =	shalt  }
0x58: {  	_ =	shalt  }
0x59: {  	_ =	shalt  }
0x5a: {  	_ =	shalt  }
0x5b: {  	_ =	shalt  }
0x5c: {  	_ =	shalt  }
0x5d: {  	_ =	shalt  }
0x5e: {  	_ =	shalt  }
0x5f: {  	_ =	shalt  }
0x60: {  	_ =	shalt  }
0x61: {  	_ =	shalt  }
0x62: {  	_ =	shalt  }
0x63: {  	_ =	shalt  }
0x64: {  	_ =	shalt  }
0x65: {  	_ =	shalt  }
0x66: {  	_ =	shalt  }
0x67: {  	_ =	shalt  }
0x68: {  	_ =	shalt  }
0x69: {  	_ =	shalt  }
0x6a: {  	_ =	shalt  }
0x6b: {  	_ =	shalt  }
0x6c: {  	_ =	shalt  }
0x6d: {  	_ =	shalt  }
0x6e: {  	_ =	shalt  }
0x6f: {  	_ =	shalt  }
0x70: {  	_ =	shalt  }
0x71: {  	_ =	shalt  }
0x72: {  	_ =	shalt  }
0x73: {  	_ =	shalt  }
0x74: {  	_ =	shalt  }
0x75: {  	_ =	shalt  }
0x76: {  	_ =	shalt  }
0x77: {  	_ =	shalt  }
0x78: {  	_ =	shalt  }
0x79: {  	_ =	shalt  }
0x7a: {  	_ =	shalt  }
0x7b: {  	_ =	shalt  }
0x7c: {  	_ =	shalt  }
0x7d: {  	_ =	shalt  }
0x7e: {  	_ =	shalt  }
0x7f: {  	_ =	shalt  }
0x80: {  	_ =	shalt  }
0x81: {  	_ =	shalt  }
0x82: {  	_ =	shalt  }
0x83: {  	_ =	shalt  }
0x84: {  	_ =	shalt  }
0x85: {  	_ =	shalt  }
0x86: {  	_ =	shalt  }
0x87: {  	_ =	shalt  }
.Lfunc_end0:
.L_simem_size_0:
called_computation.1_lowered:
.L_overlay_start_0:
0x88: {  	s2 =	sld [smem:$0x3FD9]  }
0x89: {  	s3 =	sld [smem:$0x3FFE];
	_ =	sdelay $0x1  }
0x8a: {  	s1 =	srdreg.scid  }
0x8b: {  	s0 =	sand.u32 $0x1, s1  }
0x8c: {  	s16 =	sshll.u32 s0, $0xA;
	s2 =	sadd.s32 s3, s2  }
0x8d: {  	s2 =	sadd.s32 s2, s16  }
0x8e: {  	[smem:$0x3FBE] =	sst s2  }
0x8f: {  	_ = 	snop  }
0x90: {  	(tm) =	ssettm $0x1  }
0x91: {  	s17 =	sld [smem:$0x3FFB];
	_ =	sdelay $0x3  }
0x92: {  	_ =	strace s17  }
0x93: {  	s2 =	sld [smem:$0x3FFC];
	_ =	sdelay $0x3  }
0x94: {  	_ =	strace s2  }
0x95: {  	s2 =	sld [smem:$0x3FFD];
	_ =	sdelay $0x3  }
0x96: {  	_ =	strace s2  }
0x97: {  	_ =	strace $0x8FFFFFFF  }
0x98: {  	s18 =	sld [smem:$0x3FDB];
	_ =	sdelay $0x1  }
0x99: {  	s19 =	simm.s32 $_scs_section_size  }
0x9a: {  	s4 =	simm.s32 $_size__tile_overlayer_lowered;
	s5 =	simm.s32 $_tile_overlayer_lowered  }
0x9b: {  	s22 =	simm.s32 $0x1BFF;
	s21 =	sshll.u32 s5, $0x1;
	s2 =	sadd.s32 s19, s18  }
0x9c: {  	s6 =	simm.s32 $0x0;
	s20 =	sshll.u32 s4, $0x1;
	s4 =	sadd.s32 s21, s2  }
0x9d: {  	[timem:s6], [sflag:s22] =	dma.local [hbm:s4], s20  }
0x9e: {  	_ =	swait.ge [sflag:s22], s20  }
0x9f: {  	s3 =	ssub.s32 $0x0, s20;
	[sflag:s22] =	ssyncset.done $0x0  }
0xa0: {  	[sflag:s22] =	ssyncadd.s32 s3;
	_ =	sdelay $0x1  }
0xa1: {  	s23 =	simm.s32 $0x1B8B  }
0xa2: {  	_ =	swait.ge [sflag:s23], $0x1  }
0xa3: {  	[sflag:s23] =	ssyncset.done $0x0  }
0xa4: {  	s25 =	simm.s32 $0x1B8E;
	s24 =	sld [smem:$0x3FFE];
	[sflag:s23] =	ssyncadd.s32 $0xFFFFFFFF  }
0xa5: {  	s26 =	simm.s32 $execute0_lowered;
	[smem:$0x3FD2] =	sst s25  }
0xa6: {  	s4 =	sshll.u32 s26, $0x1;
	_ =	strace $0x80000049;
	[dreg:$0x1] =	wrdreg $0xFFFFFFFF  }
0xa7: {  	s28 =	simm.s32 $_size_execute0_lowered;
	s2 =	sadd.s32 s2, s4;
	[dreg:$0x0] =	wrdreg $0x0  }
0xa8: {  	s4 =	sshll.u32 s28, $0x1;
	[dreg:$0x2] =	wrdreg s2  }
0xa9: {  	[dreg:$0x3] =	wrdreg s4  }
0xaa: {  	[dreg:$0x4] =	wrdreg $0xC0  }
0xab: {  	_ =	task [dreg:s6], $0x5FFFF  }
0xac: {  	[dreg:$0x1] =	wrdreg $0xFFFFFFFF  }
0xad: {  	[dreg:$0x0] =	wrdreg $0x60  }
0xae: {  	[dreg:$0x2] =	wrdreg s24  }
0xaf: {  	[dreg:$0x3] =	wrdreg $0x9  }
0xb0: {  	_ =	task.clear_ibuf [dreg:s6], $0x4FFFF;
	_ =	strace $0x90000049  }
0xb1: {  	s29 =	simm.s32 $0x9;
	_ =	strace $0x8000004B  }
0xb2: {  	_ =	swait.ge [sflag:s29], $0x1  }
0xb3: {  	[sflag:s29] =	ssyncadd.s32 $0xFFFFFFFF  }
0xb4: {  	_ =	strace $0x9000004B  }
0xb5: {  	_ =	sfence  }
0xb6: {  	s30 =	sld [smem:$0x0];
	_ =	sdelay $0x2  }
0xb7: {  	s31 =	sshll.u32 s1, $0xD;
	s1 =	sshrl.u32 s1, $0x2  }
0xb8: {  	s3 =	sand.u32 $0x4000, s31;
	s1 =	sadd.s32 s1, s30  }
0xb9: {  	s0 =	sor.u32 s3, s0;
	s1 =	sshll.u32 s1, $0x11  }
0xba: {  	s0 =	sor.u32 s1, s0  }
0xbb: {  	s0 =	sadd.s32 $0x8F2B, s0  }
0xbc: {  	[sflag:s0] =	ssyncadd.remote.s32 $0x1  }
0xbd: {  	_ =	sfence.sel $0xFFFF  }
0xbe: {  	[dreg:$0x0] =	wrdreg $0xFFFFFFFF;
	(pc) =	sbr.abs _section_cstart, $3  }
0xbf: {  	[dreg:$0x1] =	wrdreg $0xFFFFFFFF  }
0xc0: {  	_ =	task.clear_ibuf [dreg:s6], $0x2FFFF;
	_ =	strace $0x9FFFFFFF  }
0xc1: {  	(tm) =	ssettm $0x7FFFFFFF  }
tec
execute0_lowered:
.L_overlay_start_1:
0x0: {  	(tag) =	ssettag $0x1  }
0x1: {  	s14 =	rddreg [dreg:$0x0]  }
0x2: {  	s3 =	srdreg.scid;
	s1 =	stileid.u32  }
0x3: {  	s2 =	simm.s32 $0x0;
	s20 =	sand.u32 $0x1, s3;
	s26 =	sshll.u32 s1, $0x1  }
0x4: {  	[smem:$0x7FF] =	sst s2;
	s4 =	sshll.u32 s20, $0x6;
	s5 =	sor.u32 s20, s26  }
0x5: {  	s29 =	sshll.u32 s1, $0x7;
	s28 =	sadd.s32 s4, s14;
	s6 =	smul.u32 $0xA000, s5  }
0x6: {  	s0 =	rddreg [dreg:$0x1];
	_ =	strace $0x8000004A;
	s3 =	sadd.s32 s29, s28  }
0x7: {  	s30 =	smul.u32 $0x1400, s5;
	s3 =	sadd.s32 $0x48400, s3;
	s31 =	sshrl.u32 s6, $0x3  }
0x8: {  	[tilespmem:s2], [sflag:$0x1] =	stream.linear.gather [hbm4b:s3+s2], $0x200, $0x38;
	[tilespmem:$0xA200] =	vst v63  }
0x9: {  	s5 =	simm.s32 $0x200;
	s4 =	sadd.s32 s14, s30;
	s10 =	sadd.s32 s14, s31  }
0xa: {  	[tilespmem:s5], [sflag:$0x2] =	stream.linear.gather [hbm4b:s4+s2], $0x2800, $0x38;
	[tilespmem:$0xA200] =	vst v63  }
0xb: {  	s7 =	simm.s32 $0x2A00;
	s6 =	sadd.s32 $0x500, s10  }
0xc: {  	[tilespmem:s7], [sflag:$0x2] =	stream.linear.gather [hbm4b:s6+s2], $0x2800, $0x38;
	[tilespmem:$0xA200] =	vst v63  }
0xd: {  	s9 =	simm.s32 $0x5200;
	s8 =	sadd.s32 $0xA00, s10  }
0xe: {  	[tilespmem:s9], [sflag:$0x2] =	stream.linear.gather [hbm4b:s8+s2], $0x2800, $0x38;
	[tilespmem:$0xA200] =	vst v63  }
0xf: {  	s11 =	simm.s32 $0x7A00;
	s12 =	simm.s32 $0x1;
	s10 =	sadd.s32 $0xF00, s10  }
0x10: {  	[tilespmem:s11], [sflag:$0x2] =	stream.linear.gather [hbm4b:s10+s2], $0x2800, $0x38;
	[tilespmem:$0xA200] =	vst v63  }
0x11: {  	_ =	swait.ge [sflag:s12], $0x200  }
0x12: {  	[sflag:s12] =	ssyncset.done $0x0  }
0x13: {  	s13 =	simm.s32 $0x2;
	[sflag:s12] =	ssyncadd.s32 $0xFFFFFE00  }
0x14: {  	_ =	swait.ge [sflag:s13], $0x2800  }
0x15: {  	[sflag:s13] =	ssyncset.done $0x0  }
0x16: {  	s15 =	simm.s32 $0x50;
	s14 =	sadd.s32 $0x28000, s14;
	[sflag:s13] =	ssyncadd.s32 $0xFFFFD800  }
0x17: {  	[hbm4b:s14+s15] =	stream.indirect.scatter [tilespmem:s5], [sflag:$0x3], $0x80, s2, s15, $0xb8;
	[tilespmem:$0xA200] =	vst v63  }
0x18: {  	_ =	swait.ge [sflag:s13], $0x2800  }
0x19: {  	[sflag:s13] =	ssyncset.done $0x0  }
0x1a: {  	s16 =	simm.s32 $0x80;
	[sflag:s13] =	ssyncadd.s32 $0xFFFFD800  }
0x1b: {  	[hbm4b:s14+s15] =	stream.indirect.scatter [tilespmem:s7], [sflag:$0x3], $0x80, s16, s15, $0xb8;
	[tilespmem:$0xA200] =	vst v63  }
0x1c: {  	_ =	swait.ge [sflag:s13], $0x2800  }
0x1d: {  	[sflag:s13] =	ssyncset.done $0x0  }
0x1e: {  	s17 =	simm.s32 $0x100;
	[sflag:s13] =	ssyncadd.s32 $0xFFFFD800  }
0x1f: {  	[hbm4b:s14+s15] =	stream.indirect.scatter [tilespmem:s9], [sflag:$0x3], $0x80, s17, s15, $0xb8;
	[tilespmem:$0xA200] =	vst v63  }
0x20: {  	_ =	swait.ge [sflag:s13], $0x2800  }
0x21: {  	[sflag:s13] =	ssyncset.done $0x0  }
0x22: {  	s19 =	simm.s32 $0x180;
	s18 =	simm.s32 $0x3;
	[sflag:s13] =	ssyncadd.s32 $0xFFFFD800  }
0x23: {  	[hbm4b:s14+s15] =	stream.indirect.scatter [tilespmem:s11], [sflag:$0x3], $0x80, s19, s15, $0xb8;
	[tilespmem:$0xA200] =	vst v63  }
0x24: {  	_ =	swait.ge [sflag:s18], $0x2800  }
0x25: {  	s20 =	ssub.s32 $0x2, s20;
	[sflag:s18] =	ssyncset.done $0x0  }
0x26: {  	s21 =	sshrl.u32 s20, $0x1;
	[sflag:s18] =	ssyncadd.s32 $0xFFFFD800  }
0x27: {  	s20 =	ssub.s32 s20, s21;
	_ =	swait.ge [sflag:s18], $0x2800  }
0x28: {  	s20 =	smax.u32 s20, $0x1;
	[sflag:s18] =	ssyncset.done $0x0  }
0x29: {  	p0 =	sne.s32 s20, $0x1;
	[sflag:s18] =	ssyncadd.s32 $0xFFFFD800  }
.Ltmp0:
0x2a: {  	_ =	swait.ge [sflag:s18], $0x2800;
	(pc) =	sbr.rel @!p0 .LBB2_2-.Ltmp0, $4  }
0x2b: {  	[sflag:s18] =	ssyncset.done $0x0  }
0x2c: {  	[sflag:s18] =	ssyncadd.s32 $0xFFFFD800  }
0x2d: {  	_ =	swait.ge [sflag:s18], $0x2800  }
0x2e: {  	s20 =	sadd.s32 $0xFFFFFFFF, s20;
	[sflag:s18] =	ssyncset.done $0x0  }
.LBB2_1:
0x2f: {  	p0 =	sne.s32 s20, $0x1;
	s20 =	sadd.s32 $0xFFFFFFFF, s20;
	[sflag:s18] =	ssyncadd.s32 $0xFFFFD800  }
0x30: {  	[tilespmem:s2], [sflag:$0x1] =	stream.linear.gather [hbm4b:s3+s2], $0x200, $0x38;
	[tilespmem:$0xA200] =	vst v63  }
0x31: {  	_ = 	snop  }
0x32: {  	[tilespmem:s5], [sflag:$0x2] =	stream.linear.gather [hbm4b:s4+s2], $0x2800, $0x38;
	[tilespmem:$0xA200] =	vst v63  }
0x33: {  	_ = 	snop  }
0x34: {  	[tilespmem:s7], [sflag:$0x2] =	stream.linear.gather [hbm4b:s6+s2], $0x2800, $0x38;
	[tilespmem:$0xA200] =	vst v63  }
0x35: {  	_ = 	snop  }
0x36: {  	[tilespmem:s9], [sflag:$0x2] =	stream.linear.gather [hbm4b:s8+s2], $0x2800, $0x38;
	[tilespmem:$0xA200] =	vst v63  }
0x37: {  	_ = 	snop  }
0x38: {  	[tilespmem:s11], [sflag:$0x2] =	stream.linear.gather [hbm4b:s10+s2], $0x2800, $0x38;
	[tilespmem:$0xA200] =	vst v63  }
0x39: {  	_ =	swait.ge [sflag:s12], $0x200  }
0x3a: {  	[sflag:s12] =	ssyncset.done $0x0  }
0x3b: {  	[sflag:s12] =	ssyncadd.s32 $0xFFFFFE00  }
0x3c: {  	_ =	swait.ge [sflag:s13], $0x2800  }
0x3d: {  	[sflag:s13] =	ssyncset.done $0x0  }
0x3e: {  	[sflag:s13] =	ssyncadd.s32 $0xFFFFD800  }
0x3f: {  	[hbm4b:s14+s15] =	stream.indirect.scatter [tilespmem:s5], [sflag:$0x3], $0x80, s2, s15, $0xb8;
	[tilespmem:$0xA200] =	vst v63  }
0x40: {  	_ =	swait.ge [sflag:s13], $0x2800  }
0x41: {  	[sflag:s13] =	ssyncset.done $0x0  }
0x42: {  	[sflag:s13] =	ssyncadd.s32 $0xFFFFD800  }
0x43: {  	[hbm4b:s14+s15] =	stream.indirect.scatter [tilespmem:s7], [sflag:$0x3], $0x80, s16, s15, $0xb8;
	[tilespmem:$0xA200] =	vst v63  }
0x44: {  	_ =	swait.ge [sflag:s13], $0x2800  }
0x45: {  	[sflag:s13] =	ssyncset.done $0x0  }
0x46: {  	[sflag:s13] =	ssyncadd.s32 $0xFFFFD800  }
0x47: {  	[hbm4b:s14+s15] =	stream.indirect.scatter [tilespmem:s9], [sflag:$0x3], $0x80, s17, s15, $0xb8;
	[tilespmem:$0xA200] =	vst v63  }
0x48: {  	_ =	swait.ge [sflag:s13], $0x2800  }
0x49: {  	[sflag:s13] =	ssyncset.done $0x0  }
0x4a: {  	[sflag:s13] =	ssyncadd.s32 $0xFFFFD800  }
0x4b: {  	[hbm4b:s14+s15] =	stream.indirect.scatter [tilespmem:s11], [sflag:$0x3], $0x80, s19, s15, $0xb8;
	[tilespmem:$0xA200] =	vst v63  }
0x4c: {  	_ =	swait.ge [sflag:s18], $0x2800  }
0x4d: {  	[sflag:s18] =	ssyncset.done $0x0  }
0x4e: {  	[sflag:s18] =	ssyncadd.s32 $0xFFFFD800  }
0x4f: {  	_ =	swait.ge [sflag:s18], $0x2800  }
0x50: {  	[sflag:s18] =	ssyncset.done $0x0  }
0x51: {  	[sflag:s18] =	ssyncadd.s32 $0xFFFFD800  }
.Ltmp1:
0x52: {  	_ =	swait.ge [sflag:s18], $0x2800;
	(pc) =	sbr.rel @p0 .LBB2_1-.Ltmp1, $4  }
0x53: {  	[sflag:s18] =	ssyncset.done $0x0  }
0x54: {  	[sflag:s18] =	ssyncadd.s32 $0xFFFFD800  }
0x55: {  	_ =	swait.ge [sflag:s18], $0x2800  }
0x56: {  	[sflag:s18] =	ssyncset.done $0x0  }
.LBB2_2:
0x57: {  	[sflag:s18] =	ssyncadd.s32 $0xFFFFD800  }
0x58: {  	_ =	sfence.sel $0x180000  }
0x59: {  	[bflag:$0x0] =	sbarrier.arrive $0xFFFF  }
0x5a: {  	p0 =	sne.s32 s1, $0x0;
	_ =	strace $0x9000004A  }
0x5b: {  	s0 =	sadd.s32 @!p0 $0x100000, s0;
	[bflag:$0x2] =	sbarrier.arrive $0xFFFF  }
0x5c: {  	[sflag:s0] =	ssyncadd.tile.s32 @!p0 $0x1;
	_ =	shalt  }
.Lfunc_end2:
_tile_overlayer_lowered:
.L_overlay_start_2:
0x5d: {  	(tag) =	ssettag $0x2  }
0x5e: {  	s0 =	rddreg [dreg:$0x0];
	s2 =	stileid.u32  }
0x5f: {  	s1 =	rddreg [dreg:$0x1];
	p0 =	sne.s32 s2, $0x0  }
0x60: {  	s3 =	rddreg [dreg:$0x2];
	[bflag:$0x3] =	sbarrier.arrive $0xFFFF;
	s2 =	simm.s32 @!p0 $0x1C04  }
0x61: {  	[timem:s3], [sflag:s2] =	dma.local @!p0 [hbm:s0], s1  }
0x62: {  	s0 =	simm.s32 @!p0 $0x4  }
0x63: {  	_ =	swait.ge @!p0 [sflag:s0], s1  }
0x64: {  	s1 =	ssub.s32 @!p0 $0x0, s1;
	[sflag:s0] =	ssyncset.done @!p0 $0x0  }
0x65: {  	[sflag:s0] =	ssyncadd.s32 @!p0 s1  }
0x66: {  	[bflag:$0x3] =	sbarrier.arrive $0xFFFF  }
0x67: {  	_ =	shalt  }

</sc_bundles>
